<compile_context>
chip_gen: v7x
topology: tpu7x:2x2x1
jax: 0.10.2.dev20260603
libtpu: 0.0.44.dev20260713+nightly
codegen_flags: <defaults>
</compile_context>

<pallas_src>
import functools

import jax
import jax.numpy as jnp
from jax import lax
from jax.experimental import pallas as pl
from jax.experimental.pallas import tpu as pltpu
from jax.experimental.pallas import tpu_sc as plsc

VOCAB = 1000000
CTX = 200
DEMB = 64
BATCH = 4096

NC = 2
NS = 16
NW = NC * NS

TOK_PER_W = BATCH * CTX // NW
CHUNK = 128
NCHUNK = TOK_PER_W // CHUNK
NBUF = 2


def _emb_kernel(tok_hbm, e_hbm, p_hbm, out_hbm,
                idx_v, p2_v, id_v, gbufs, shared,
                sp0, sp1, sg0, sg1, sa0, sa1, ss0, ss1):
    sp = (sp0, sp1)
    sg = (sg0, sg1)
    sa = (sa0, sa1)
    ss = (ss0, ss1)

    sid = lax.axis_index("s")
    wid = sid * NC + lax.axis_index("c")
    base_row = wid * TOK_PER_W
    sbufs = tuple(shared.at[sid, b] for b in range(NBUF))
    bufs = tuple(gbufs.at[b] for b in range(NBUF))

    pltpu.sync_copy(tok_hbm.at[wid], idx_v)
    pltpu.sync_copy(p_hbm, p2_v.at[pl.ds(0, CTX)])
    pltpu.sync_copy(p_hbm, p2_v.at[pl.ds(CTX, CTX)])

    for q in range(CHUNK // 16):
        id_v[pl.ds(16 * q, 16)] = lax.iota(jnp.int32, 16) + 16 * q

    def prefill_copy(jb, b):
        pos0 = lax.rem(jb * CHUNK, CTX)
        return pltpu.make_async_copy(
            p2_v.at[pl.ds(pos0, CHUNK)], sbufs[b], sp[b])

    def gather_copy(jb, b):
        return pltpu.make_async_copy(e_hbm.at[idx_v.at[jb]], bufs[b], sg[b])

    def add_start(jb, b):
        pltpu.async_copy(bufs[b], sbufs[b].at[id_v], sa[b], add=True)

    def add_wait(jb, b):
        pltpu.make_async_copy(bufs[b], sbufs[b].at[id_v], sa[b]).wait()

    def scatter_copy(jb, b):
        return pltpu.make_async_copy(
            sbufs[b], out_hbm.at[pl.ds(base_row + jb * CHUNK, CHUNK)], ss[b])

    def iter_body(i, carry):
        j = i * NBUF
        for b in range(NBUF):
            jb = j + b

            @pl.when(i > 0)
            def _wait_prev_scatter():
                scatter_copy(jb - NBUF, b).wait()

            prefill_copy(jb, b).start()
            gather_copy(jb, b).start()

        for b in range(NBUF):
            jb = j + b
            prefill_copy(jb, b).wait()
            gather_copy(jb, b).wait()
            add_start(jb, b)

        for b in range(NBUF):
            jb = j + b
            add_wait(jb, b)
            scatter_copy(jb, b).start()
        return carry

    lax.fori_loop(0, NCHUNK // NBUF, iter_body, 0)

    for b in range(NBUF):
        scatter_copy(NCHUNK - NBUF + b, b).wait()


@functools.partial(
    pl.kernel,
    mesh=plsc.VectorSubcoreMesh(core_axis_name="c", subcore_axis_name="s"),
    out_type=jax.ShapeDtypeStruct((BATCH * CTX, DEMB), jnp.float32),
    compiler_params=pltpu.CompilerParams(use_tc_tiling_on_sc=False),
    scratch_types=[
        pltpu.VMEM((NCHUNK, CHUNK), jnp.int32),
        pltpu.VMEM((2 * CTX, DEMB), jnp.float32),
        pltpu.VMEM((CHUNK,), jnp.int32),
        pltpu.VMEM((NBUF, CHUNK, DEMB), jnp.float32),
        pltpu.VMEM_SHARED((NS, NBUF, CHUNK, DEMB), jnp.float32),
    ] + [pltpu.SemaphoreType.DMA for _ in range(4 * NBUF)],
)
def _emb_call(tok_hbm, e_hbm, p_hbm, out_hbm, *scratch):
    _emb_kernel(tok_hbm, e_hbm, p_hbm, out_hbm, *scratch)


def kernel(tokens, E, P):
    tok = tokens.astype(jnp.int32).reshape(NW, NCHUNK, CHUNK)
    out = _emb_call(tok, E, P)
    return out.reshape(BATCH, CTX, DEMB)

# --- scband reference (transcript-rebuilt; emitter-appended) ---
"""Pipeline reference for scband-embedding-layer-87952340288012 (READ-ONLY COPY).

The authoritative reference and input builder live on the scoring server;
editing this copy changes nothing except your own understanding.
"""

import jax, jax.numpy as jnp
import numpy as np

VOCAB = 1000000
CTX = 200
DEMB = 64
BATCH = 4096

def setup_inputs(seed: int = 0) -> dict:
    key = jax.random.key(seed)
    k1, k2, k3 = jax.random.split(key, 3)
    tokens = jax.random.randint(k1, (BATCH, CTX), 0, VOCAB, dtype=jnp.int64 if jax.config.jax_enable_x64 else jnp.int32)
    E = jax.random.normal(k2, (VOCAB, DEMB), dtype=jnp.float32)
    P = jax.random.normal(k3, (CTX, DEMB), dtype=jnp.float32)
    return {"tokens": tokens, "E": E, "P": P}

def reference(tokens, E, P):
    # emb_vocab = self.E(tokens)
    emb_vocab = jnp.take(E, tokens, axis=0)  # [B, CTX, DEMB]
    # emb_pos = self.P(self.position)[None, :, :]
    position = jnp.arange(0, CTX)
    emb_pos = jnp.take(P, position, axis=0)[None, :, :]  # [1, CTX, DEMB]
    return emb_vocab + emb_pos

if __name__ == "__main__":
    import jax
    _d = setup_inputs()
    print(jax.jit(kernel)(*tuple(_d.values())))

</pallas_src>

<mosaic_0001>
#map = affine_map<(d0, d1) -> (0, 0, 0)>
#map1 = affine_map<(d0, d1) -> (0, 0)>
module attributes {stable_mosaic.version = 14 : i64} {
  func.func @_emb_call(%arg0: i32, %arg1: i32, %arg2: memref<32x200x128xi32, #tpu.memory_space<hbm>>, %arg3: memref<1000000x64xf32, #tpu.memory_space<hbm>>, %arg4: memref<200x64xf32, #tpu.memory_space<hbm>>, %arg5: memref<819200x64xf32, #tpu.memory_space<hbm>>, %arg6: memref<200x128xi32, #tpu.memory_space<vmem>>, %arg7: memref<400x64xf32, #tpu.memory_space<vmem>>, %arg8: memref<128xi32, #tpu.memory_space<vmem>>, %arg9: memref<2x128x64xf32, #tpu.memory_space<vmem>>, %arg10: memref<16x2x128x64xf32, #tpu.memory_space<vmem_shared>>, %arg11: memref<!tpu.dma_semaphore, #tpu.memory_space<semaphore_mem>>, %arg12: memref<!tpu.dma_semaphore, #tpu.memory_space<semaphore_mem>>, %arg13: memref<!tpu.dma_semaphore, #tpu.memory_space<semaphore_mem>>, %arg14: memref<!tpu.dma_semaphore, #tpu.memory_space<semaphore_mem>>, %arg15: memref<!tpu.dma_semaphore, #tpu.memory_space<semaphore_mem>>, %arg16: memref<!tpu.dma_semaphore, #tpu.memory_space<semaphore_mem>>, %arg17: memref<!tpu.dma_semaphore, #tpu.memory_space<semaphore_mem>>, %arg18: memref<!tpu.dma_semaphore, #tpu.memory_space<semaphore_mem>>) attributes {dimension_semantics = [#tpu.dimension_semantics<core_parallel>, #tpu.dimension_semantics<subcore_parallel>], iteration_bounds = array<i64: 2, 16>, scalar_prefetch = 0 : i64, scratch_operands = 13 : i64, tpu.core_type = #tpu.core_type<sc_vector_subcore>, window_params = [{transform_indices = #map}, {transform_indices = #map1}, {transform_indices = #map1}, {transform_indices = #map1}]} {
    %mul3A = arith.constant 2 : i32
    %mul3A_0 = arith.muli %arg1, %mul3A : i32
    %add3A = arith.addi %mul3A_0, %arg0 : i32
    %mul3A_1 = arith.constant 25600 : i32
    %mul3A_2 = arith.muli %add3A, %mul3A_1 : i32
    "tpu.region"() ({
      %run_scoped3A = tpu.sem_alloc : memref<!tpu.dma_semaphore, #tpu.memory_space<semaphore_mem>>
      %dma_start3A = arith.constant 0 : i32
      %dma_start3A_91 = arith.constant 0 : i32
      %dma_start3A_92 = tpu.memref_slice %arg2[%add3A, %dma_start3A, %dma_start3A_91] : memref<32x200x128xi32, #tpu.memory_space<hbm>> -> memref<1x200x128xi32, #tpu.memory_space<hbm>>
      %dma_start3A_93 = tpu.memref_squeeze %dma_start3A_92 : memref<1x200x128xi32, #tpu.memory_space<hbm>> -> memref<200x128xi32, #tpu.memory_space<hbm>>
      %dma_start3A_94 = arith.constant 0 : i32
      %dma_start3A_95 = arith.constant 0 : i32
      %dma_start3A_96 = tpu.memref_slice %arg2[%add3A, %dma_start3A_94, %dma_start3A_95] : memref<32x200x128xi32, #tpu.memory_space<hbm>> -> memref<1x200x128xi32, #tpu.memory_space<hbm>>
      %dma_start3A_97 = tpu.memref_squeeze %dma_start3A_96 : memref<1x200x128xi32, #tpu.memory_space<hbm>> -> memref<200x128xi32, #tpu.memory_space<hbm>>
      tpu.enqueue_dma source(%dma_start3A_97 : memref<200x128xi32, #tpu.memory_space<hbm>>) target(%arg6 : memref<200x128xi32, #tpu.memory_space<vmem>>) target_semaphore(%run_scoped3A : memref<!tpu.dma_semaphore, #tpu.memory_space<semaphore_mem>>)
      %dma_wait3A_98 = arith.constant 0 : i32
      %dma_wait3A_99 = arith.constant 0 : i32
      %dma_wait3A_100 = tpu.memref_slice %arg2[%add3A, %dma_wait3A_98, %dma_wait3A_99] : memref<32x200x128xi32, #tpu.memory_space<hbm>> -> memref<1x200x128xi32, #tpu.memory_space<hbm>>
      %dma_wait3A_101 = tpu.memref_squeeze %dma_wait3A_100 : memref<1x200x128xi32, #tpu.memory_space<hbm>> -> memref<200x128xi32, #tpu.memory_space<hbm>>
      %dma_wait3A_102 = arith.constant 0 : i32
      %dma_wait3A_103 = arith.constant 0 : i32
      %dma_wait3A_104 = tpu.memref_slice %arg2[%add3A, %dma_wait3A_102, %dma_wait3A_103] : memref<32x200x128xi32, #tpu.memory_space<hbm>> -> memref<1x200x128xi32, #tpu.memory_space<hbm>>
      %dma_wait3A_105 = tpu.memref_squeeze %dma_wait3A_104 : memref<1x200x128xi32, #tpu.memory_space<hbm>> -> memref<200x128xi32, #tpu.memory_space<hbm>>
      tpu.wait_dma2 semaphore(%run_scoped3A : memref<!tpu.dma_semaphore, #tpu.memory_space<semaphore_mem>>) src(%dma_wait3A_105 : memref<200x128xi32, #tpu.memory_space<hbm>>) dst(%arg6 : memref<200x128xi32, #tpu.memory_space<vmem>>)
      tpu.yield
    }) : () -> ()
    "tpu.region"() ({
      %run_scoped3A = tpu.sem_alloc : memref<!tpu.dma_semaphore, #tpu.memory_space<semaphore_mem>>
      %dma_start3A = arith.constant 0 : i32
      %dma_start3A_91 = arith.constant 0 : i32
      %dma_start3A_92 = tpu.memref_slice %arg7[%dma_start3A, %dma_start3A_91] : memref<400x64xf32, #tpu.memory_space<vmem>> -> memref<200x64xf32, #tpu.memory_space<vmem>>
      %dma_start3A_93 = arith.constant 0 : i32
      %dma_start3A_94 = arith.constant 0 : i32
      %dma_start3A_95 = tpu.memref_slice %arg7[%dma_start3A_93, %dma_start3A_94] : memref<400x64xf32, #tpu.memory_space<vmem>> -> memref<200x64xf32, #tpu.memory_space<vmem>>
      tpu.enqueue_dma source(%arg4 : memref<200x64xf32, #tpu.memory_space<hbm>>) target(%dma_start3A_95 : memref<200x64xf32, #tpu.memory_space<vmem>>) target_semaphore(%run_scoped3A : memref<!tpu.dma_semaphore, #tpu.memory_space<semaphore_mem>>)
      %dma_wait3A_96 = arith.constant 0 : i32
      %dma_wait3A_97 = arith.constant 0 : i32
      %dma_wait3A_98 = tpu.memref_slice %arg7[%dma_wait3A_96, %dma_wait3A_97] : memref<400x64xf32, #tpu.memory_space<vmem>> -> memref<200x64xf32, #tpu.memory_space<vmem>>
      %dma_wait3A_99 = arith.constant 0 : i32
      %dma_wait3A_100 = arith.constant 0 : i32
      %dma_wait3A_101 = tpu.memref_slice %arg7[%dma_wait3A_99, %dma_wait3A_100] : memref<400x64xf32, #tpu.memory_space<vmem>> -> memref<200x64xf32, #tpu.memory_space<vmem>>
      tpu.wait_dma2 semaphore(%run_scoped3A : memref<!tpu.dma_semaphore, #tpu.memory_space<semaphore_mem>>) src(%arg4 : memref<200x64xf32, #tpu.memory_space<hbm>>) dst(%dma_wait3A_101 : memref<200x64xf32, #tpu.memory_space<vmem>>)
      tpu.yield
    }) : () -> ()
    "tpu.region"() ({
      %run_scoped3A = tpu.sem_alloc : memref<!tpu.dma_semaphore, #tpu.memory_space<semaphore_mem>>
      %dma_start3A = arith.constant 200 : i32
      %dma_start3A_91 = arith.constant 0 : i32
      %dma_start3A_92 = tpu.memref_slice %arg7[%dma_start3A, %dma_start3A_91] : memref<400x64xf32, #tpu.memory_space<vmem>> -> memref<200x64xf32, #tpu.memory_space<vmem>>
      %dma_start3A_93 = arith.constant 200 : i32
      %dma_start3A_94 = arith.constant 0 : i32
      %dma_start3A_95 = tpu.memref_slice %arg7[%dma_start3A_93, %dma_start3A_94] : memref<400x64xf32, #tpu.memory_space<vmem>> -> memref<200x64xf32, #tpu.memory_space<vmem>>
      tpu.enqueue_dma source(%arg4 : memref<200x64xf32, #tpu.memory_space<hbm>>) target(%dma_start3A_95 : memref<200x64xf32, #tpu.memory_space<vmem>>) target_semaphore(%run_scoped3A : memref<!tpu.dma_semaphore, #tpu.memory_space<semaphore_mem>>)
      %dma_wait3A_96 = arith.constant 200 : i32
      %dma_wait3A_97 = arith.constant 0 : i32
      %dma_wait3A_98 = tpu.memref_slice %arg7[%dma_wait3A_96, %dma_wait3A_97] : memref<400x64xf32, #tpu.memory_space<vmem>> -> memref<200x64xf32, #tpu.memory_space<vmem>>
      %dma_wait3A_99 = arith.constant 200 : i32
      %dma_wait3A_100 = arith.constant 0 : i32
      %dma_wait3A_101 = tpu.memref_slice %arg7[%dma_wait3A_99, %dma_wait3A_100] : memref<400x64xf32, #tpu.memory_space<vmem>> -> memref<200x64xf32, #tpu.memory_space<vmem>>
      tpu.wait_dma2 semaphore(%run_scoped3A : memref<!tpu.dma_semaphore, #tpu.memory_space<semaphore_mem>>) src(%arg4 : memref<200x64xf32, #tpu.memory_space<hbm>>) dst(%dma_wait3A_101 : memref<200x64xf32, #tpu.memory_space<vmem>>)
      tpu.yield
    }) : () -> ()
    %iota3A = tpu.iota {dimensions = array<i32: 0>} : vector<16xi32>
    %add3A_3 = arith.constant 0 : i32
    %add3A_4 = vector.broadcast %add3A_3 : i32 to vector<16xi32>
    %add3A_5 = arith.addi %iota3A, %add3A_4 : vector<16xi32>
    %swap3A = arith.constant 0 : index
    %swap3A_6 = tpu.vector_load %arg8[%swap3A] {strides = array<i32>} : memref<128xi32, #tpu.memory_space<vmem>>, vector<16xi32>,
    %swap3A_7 = vector.shape_cast %swap3A_6 : vector<16xi32> to vector<16xi32>
    %swap3A_8 = vector.shape_cast %add3A_5 : vector<16xi32> to vector<16xi32>
    tpu.vector_store %arg8[%swap3A], %swap3A_8 {strides = array<i32>} : memref<128xi32, #tpu.memory_space<vmem>>, vector<16xi32>,
    %iota3A_9 = tpu.iota {dimensions = array<i32: 0>} : vector<16xi32>
    %add3A_10 = arith.constant 16 : i32
    %add3A_11 = vector.broadcast %add3A_10 : i32 to vector<16xi32>
    %add3A_12 = arith.addi %iota3A_9, %add3A_11 : vector<16xi32>
    %swap3A_13 = arith.constant 16 : index
    %swap3A_14 = tpu.vector_load %arg8[%swap3A_13] {strides = array<i32>} : memref<128xi32, #tpu.memory_space<vmem>>, vector<16xi32>,
    %swap3A_15 = vector.shape_cast %swap3A_14 : vector<16xi32> to vector<16xi32>
    %swap3A_16 = vector.shape_cast %add3A_12 : vector<16xi32> to vector<16xi32>
    tpu.vector_store %arg8[%swap3A_13], %swap3A_16 {strides = array<i32>} : memref<128xi32, #tpu.memory_space<vmem>>, vector<16xi32>,
    %iota3A_17 = tpu.iota {dimensions = array<i32: 0>} : vector<16xi32>
    %add3A_18 = arith.constant 32 : i32
    %add3A_19 = vector.broadcast %add3A_18 : i32 to vector<16xi32>
    %add3A_20 = arith.addi %iota3A_17, %add3A_19 : vector<16xi32>
    %swap3A_21 = arith.constant 32 : index
    %swap3A_22 = tpu.vector_load %arg8[%swap3A_21] {strides = array<i32>} : memref<128xi32, #tpu.memory_space<vmem>>, vector<16xi32>,
    %swap3A_23 = vector.shape_cast %swap3A_22 : vector<16xi32> to vector<16xi32>
    %swap3A_24 = vector.shape_cast %add3A_20 : vector<16xi32> to vector<16xi32>
    tpu.vector_store %arg8[%swap3A_21], %swap3A_24 {strides = array<i32>} : memref<128xi32, #tpu.memory_space<vmem>>, vector<16xi32>,
    %iota3A_25 = tpu.iota {dimensions = array<i32: 0>} : vector<16xi32>
    %add3A_26 = arith.constant 48 : i32
    %add3A_27 = vector.broadcast %add3A_26 : i32 to vector<16xi32>
    %add3A_28 = arith.addi %iota3A_25, %add3A_27 : vector<16xi32>
    %swap3A_29 = arith.constant 48 : index
    %swap3A_30 = tpu.vector_load %arg8[%swap3A_29] {strides = array<i32>} : memref<128xi32, #tpu.memory_space<vmem>>, vector<16xi32>,
    %swap3A_31 = vector.shape_cast %swap3A_30 : vector<16xi32> to vector<16xi32>
    %swap3A_32 = vector.shape_cast %add3A_28 : vector<16xi32> to vector<16xi32>
    tpu.vector_store %arg8[%swap3A_29], %swap3A_32 {strides = array<i32>} : memref<128xi32, #tpu.memory_space<vmem>>, vector<16xi32>,
    %iota3A_33 = tpu.iota {dimensions = array<i32: 0>} : vector<16xi32>
    %add3A_34 = arith.constant 64 : i32
    %add3A_35 = vector.broadcast %add3A_34 : i32 to vector<16xi32>
    %add3A_36 = arith.addi %iota3A_33, %add3A_35 : vector<16xi32>
    %swap3A_37 = arith.constant 64 : index
    %swap3A_38 = tpu.vector_load %arg8[%swap3A_37] {strides = array<i32>} : memref<128xi32, #tpu.memory_space<vmem>>, vector<16xi32>,
    %swap3A_39 = vector.shape_cast %swap3A_38 : vector<16xi32> to vector<16xi32>
    %swap3A_40 = vector.shape_cast %add3A_36 : vector<16xi32> to vector<16xi32>
    tpu.vector_store %arg8[%swap3A_37], %swap3A_40 {strides = array<i32>} : memref<128xi32, #tpu.memory_space<vmem>>, vector<16xi32>,
    %iota3A_41 = tpu.iota {dimensions = array<i32: 0>} : vector<16xi32>
    %add3A_42 = arith.constant 80 : i32
    %add3A_43 = vector.broadcast %add3A_42 : i32 to vector<16xi32>
    %add3A_44 = arith.addi %iota3A_41, %add3A_43 : vector<16xi32>
    %swap3A_45 = arith.constant 80 : index
    %swap3A_46 = tpu.vector_load %arg8[%swap3A_45] {strides = array<i32>} : memref<128xi32, #tpu.memory_space<vmem>>, vector<16xi32>,
    %swap3A_47 = vector.shape_cast %swap3A_46 : vector<16xi32> to vector<16xi32>
    %swap3A_48 = vector.shape_cast %add3A_44 : vector<16xi32> to vector<16xi32>
    tpu.vector_store %arg8[%swap3A_45], %swap3A_48 {strides = array<i32>} : memref<128xi32, #tpu.memory_space<vmem>>, vector<16xi32>,
    %iota3A_49 = tpu.iota {dimensions = array<i32: 0>} : vector<16xi32>
    %add3A_50 = arith.constant 96 : i32
    %add3A_51 = vector.broadcast %add3A_50 : i32 to vector<16xi32>
    %add3A_52 = arith.addi %iota3A_49, %add3A_51 : vector<16xi32>
    %swap3A_53 = arith.constant 96 : index
    %swap3A_54 = tpu.vector_load %arg8[%swap3A_53] {strides = array<i32>} : memref<128xi32, #tpu.memory_space<vmem>>, vector<16xi32>,
    %swap3A_55 = vector.shape_cast %swap3A_54 : vector<16xi32> to vector<16xi32>
    %swap3A_56 = vector.shape_cast %add3A_52 : vector<16xi32> to vector<16xi32>
    tpu.vector_store %arg8[%swap3A_53], %swap3A_56 {strides = array<i32>} : memref<128xi32, #tpu.memory_space<vmem>>, vector<16xi32>,
    %iota3A_57 = tpu.iota {dimensions = array<i32: 0>} : vector<16xi32>
    %add3A_58 = arith.constant 112 : i32
    %add3A_59 = vector.broadcast %add3A_58 : i32 to vector<16xi32>
    %add3A_60 = arith.addi %iota3A_57, %add3A_59 : vector<16xi32>
    %swap3A_61 = arith.constant 112 : index
    %swap3A_62 = tpu.vector_load %arg8[%swap3A_61] {strides = array<i32>} : memref<128xi32, #tpu.memory_space<vmem>>, vector<16xi32>,
    %swap3A_63 = vector.shape_cast %swap3A_62 : vector<16xi32> to vector<16xi32>
    %swap3A_64 = vector.shape_cast %add3A_60 : vector<16xi32> to vector<16xi32>
    tpu.vector_store %arg8[%swap3A_61], %swap3A_64 {strides = array<i32>} : memref<128xi32, #tpu.memory_space<vmem>>, vector<16xi32>,
    %scan3A = arith.constant 0 : i32
    %scan3A_65 = arith.constant 0 : i32
    %scan3A_66 = arith.constant 0 : i32
    %scan3A_67 = arith.constant 1 : i32
    %scan3A_68 = arith.constant 1 : i32
    %scan3A_69 = arith.constant 0 : i32
    %scan3A_70 = arith.constant 100 : i32
    %scan3A_71 = arith.addi %scan3A_69, %scan3A_70 : i32
    %scan3A_72 = arith.constant 1 : i32
    scf.for %scan3A_91 = %scan3A_69 to %scan3A_71 step %scan3A_72  : i32 {
      %mul3A_92 = arith.constant 2 : i32
      %mul3A_93 = arith.muli %scan3A_91, %mul3A_92 : i32
      %add3A_94 = arith.constant 0 : i32
      %add3A_95 = arith.addi %mul3A_93, %add3A_94 : i32
      %gt3A = arith.constant 0 : i32
      %gt3A_96 = arith.cmpi sgt, %scan3A_91, %gt3A : i32
      %convert_element_type3A = arith.extui %gt3A_96 : i1 to i32
      %cond3A = arith.constant 0 : i32
      %cond3A_97 = arith.cmpi ne, %convert_element_type3A, %cond3A : i32
      scf.if %cond3A_97 {
        %sub3A = arith.constant 2 : i32
        %sub3A_277 = arith.subi %add3A_95, %sub3A : i32
        %mul3A_278 = arith.constant 128 : i32
        %mul3A_279 = arith.muli %sub3A_277, %mul3A_278 : i32
        %add3A_280 = arith.addi %mul3A_2, %mul3A_279 : i32
        %dma_wait3A_281 = arith.constant 0 : i32
        %dma_wait3A_282 = tpu.memref_slice %arg5[%add3A_280, %dma_wait3A_281] : memref<819200x64xf32, #tpu.memory_space<hbm>> -> memref<128x64xf32, #tpu.memory_space<hbm>>
        %dma_wait3A_283 = arith.constant 0 : i32
        %dma_wait3A_284 = arith.constant 0 : i32
        %dma_wait3A_285 = tpu.memref_slice %arg10[%arg1, %scan3A_65, %dma_wait3A_283, %dma_wait3A_284] : memref<16x2x128x64xf32, #tpu.memory_space<vmem_shared>> -> memref<1x1x128x64xf32, #tpu.memory_space<vmem_shared>>
        %dma_wait3A_286 = tpu.memref_squeeze %dma_wait3A_285 : memref<1x1x128x64xf32, #tpu.memory_space<vmem_shared>> -> memref<128x64xf32, #tpu.memory_space<vmem_shared>>
        tpu.wait_dma2 semaphore(%arg17 : memref<!tpu.dma_semaphore, #tpu.memory_space<semaphore_mem>>) src(%dma_wait3A_286 : memref<128x64xf32, #tpu.memory_space<vmem_shared>>) dst(%dma_wait3A_282 : memref<128x64xf32, #tpu.memory_space<hbm>>)
      } else {
      }
      %mul3A_98 = arith.constant 128 : i32
      %mul3A_99 = arith.muli %add3A_95, %mul3A_98 : i32
      %rem3A = arith.constant 200 : i32
      %rem3A_100 = arith.remsi %mul3A_99, %rem3A : i32
      %dma_start3A = arith.constant 0 : i32
      %dma_start3A_101 = tpu.memref_slice %arg7[%rem3A_100, %dma_start3A] : memref<400x64xf32, #tpu.memory_space<vmem>> -> memref<128x64xf32, #tpu.memory_space<vmem>>
      %dma_start3A_102 = arith.constant 0 : i32
      %dma_start3A_103 = arith.constant 0 : i32
      %dma_start3A_104 = tpu.memref_slice %arg10[%arg1, %scan3A_65, %dma_start3A_102, %dma_start3A_103] : memref<16x2x128x64xf32, #tpu.memory_space<vmem_shared>> -> memref<1x1x128x64xf32, #tpu.memory_space<vmem_shared>>
      %dma_start3A_105 = tpu.memref_squeeze %dma_start3A_104 : memref<1x1x128x64xf32, #tpu.memory_space<vmem_shared>> -> memref<128x64xf32, #tpu.memory_space<vmem_shared>>
      %dma_start3A_106 = arith.constant 0 : i32
      %dma_start3A_107 = arith.constant 0 : i32
      %dma_start3A_108 = tpu.memref_slice %arg10[%arg1, %scan3A_65, %dma_start3A_106, %dma_start3A_107] : memref<16x2x128x64xf32, #tpu.memory_space<vmem_shared>> -> memref<1x1x128x64xf32, #tpu.memory_space<vmem_shared>>
      %dma_start3A_109 = tpu.memref_squeeze %dma_start3A_108 : memref<1x1x128x64xf32, #tpu.memory_space<vmem_shared>> -> memref<128x64xf32, #tpu.memory_space<vmem_shared>>
      %dma_start3A_110 = arith.constant 0 : i32
      %dma_start3A_111 = tpu.memref_slice %arg7[%rem3A_100, %dma_start3A_110] : memref<400x64xf32, #tpu.memory_space<vmem>> -> memref<128x64xf32, #tpu.memory_space<vmem>>
      tpu.enqueue_dma source(%dma_start3A_111 : memref<128x64xf32, #tpu.memory_space<vmem>>) target(%dma_start3A_109 : memref<128x64xf32, #tpu.memory_space<vmem_shared>>) target_semaphore(%arg11 : memref<!tpu.dma_semaphore, #tpu.memory_space<semaphore_mem>>)
      %dma_start3A_112 = arith.constant 0 : i32
      %dma_start3A_113 = arith.constant 0 : i32
      %dma_start3A_114 = tpu.memref_slice %arg9[%scan3A_66, %dma_start3A_112, %dma_start3A_113] : memref<2x128x64xf32, #tpu.memory_space<vmem>> -> memref<1x128x64xf32, #tpu.memory_space<vmem>>
      %dma_start3A_115 = tpu.memref_squeeze %dma_start3A_114 : memref<1x128x64xf32, #tpu.memory_space<vmem>> -> memref<128x64xf32, #tpu.memory_space<vmem>>
      %dma_start3A_116 = arith.constant 0 : i32
      %dma_start3A_117 = tpu.memref_slice %arg6[%add3A_95, %dma_start3A_116] : memref<200x128xi32, #tpu.memory_space<vmem>> -> memref<1x128xi32, #tpu.memory_space<vmem>>
      %dma_start3A_118 = tpu.memref_squeeze %dma_start3A_117 : memref<1x128xi32, #tpu.memory_space<vmem>> -> memref<128xi32, #tpu.memory_space<vmem>>
      %dma_start3A_119 = arith.constant 0 : i32
      %dma_start3A_120 = arith.constant 0 : i32
      %dma_start3A_121 = tpu.memref_slice %arg3[%dma_start3A_119, %dma_start3A_120] : memref<1000000x64xf32, #tpu.memory_space<hbm>> -> memref<1000000x64xf32, #tpu.memory_space<hbm>>
      tpu.enqueue_indirect_dma source(%dma_start3A_121 : memref<1000000x64xf32, #tpu.memory_space<hbm>>) target(%dma_start3A_115 : memref<128x64xf32, #tpu.memory_space<vmem>>) offsets(%dma_start3A_118 : memref<128xi32, #tpu.memory_space<vmem>>) semaphore(%arg13 : memref<!tpu.dma_semaphore, #tpu.memory_space<semaphore_mem>>)
      %add3A_122 = arith.constant 1 : i32
      %add3A_123 = arith.addi %mul3A_93, %add3A_122 : i32
      %gt3A_124 = arith.constant 0 : i32
      %gt3A_125 = arith.cmpi sgt, %scan3A_91, %gt3A_124 : i32
      %convert_element_type3A_126 = arith.extui %gt3A_125 : i1 to i32
      %cond3A_127 = arith.constant 0 : i32
      %cond3A_128 = arith.cmpi ne, %convert_element_type3A_126, %cond3A_127 : i32
      scf.if %cond3A_128 {
        %sub3A = arith.constant 2 : i32
        %sub3A_277 = arith.subi %add3A_123, %sub3A : i32
        %mul3A_278 = arith.constant 128 : i32
        %mul3A_279 = arith.muli %sub3A_277, %mul3A_278 : i32
        %add3A_280 = arith.addi %mul3A_2, %mul3A_279 : i32
        %dma_wait3A_281 = arith.constant 0 : i32
        %dma_wait3A_282 = tpu.memref_slice %arg5[%add3A_280, %dma_wait3A_281] : memref<819200x64xf32, #tpu.memory_space<hbm>> -> memref<128x64xf32, #tpu.memory_space<hbm>>
        %dma_wait3A_283 = arith.constant 0 : i32
        %dma_wait3A_284 = arith.constant 0 : i32
        %dma_wait3A_285 = tpu.memref_slice %arg10[%arg1, %scan3A_67, %dma_wait3A_283, %dma_wait3A_284] : memref<16x2x128x64xf32, #tpu.memory_space<vmem_shared>> -> memref<1x1x128x64xf32, #tpu.memory_space<vmem_shared>>
        %dma_wait3A_286 = tpu.memref_squeeze %dma_wait3A_285 : memref<1x1x128x64xf32, #tpu.memory_space<vmem_shared>> -> memref<128x64xf32, #tpu.memory_space<vmem_shared>>
        tpu.wait_dma2 semaphore(%arg18 : memref<!tpu.dma_semaphore, #tpu.memory_space<semaphore_mem>>) src(%dma_wait3A_286 : memref<128x64xf32, #tpu.memory_space<vmem_shared>>) dst(%dma_wait3A_282 : memref<128x64xf32, #tpu.memory_space<hbm>>)
      } else {
      }
      %mul3A_129 = arith.constant 128 : i32
      %mul3A_130 = arith.muli %add3A_123, %mul3A_129 : i32
      %rem3A_131 = arith.constant 200 : i32
      %rem3A_132 = arith.remsi %mul3A_130, %rem3A_131 : i32
      %dma_start3A_133 = arith.constant 0 : i32
      %dma_start3A_134 = tpu.memref_slice %arg7[%rem3A_132, %dma_start3A_133] : memref<400x64xf32, #tpu.memory_space<vmem>> -> memref<128x64xf32, #tpu.memory_space<vmem>>
      %dma_start3A_135 = arith.constant 0 : i32
      %dma_start3A_136 = arith.constant 0 : i32
      %dma_start3A_137 = tpu.memref_slice %arg10[%arg1, %scan3A_67, %dma_start3A_135, %dma_start3A_136] : memref<16x2x128x64xf32, #tpu.memory_space<vmem_shared>> -> memref<1x1x128x64xf32, #tpu.memory_space<vmem_shared>>
      %dma_start3A_138 = tpu.memref_squeeze %dma_start3A_137 : memref<1x1x128x64xf32, #tpu.memory_space<vmem_shared>> -> memref<128x64xf32, #tpu.memory_space<vmem_shared>>
      %dma_start3A_139 = arith.constant 0 : i32
      %dma_start3A_140 = arith.constant 0 : i32
      %dma_start3A_141 = tpu.memref_slice %arg10[%arg1, %scan3A_67, %dma_start3A_139, %dma_start3A_140] : memref<16x2x128x64xf32, #tpu.memory_space<vmem_shared>> -> memref<1x1x128x64xf32, #tpu.memory_space<vmem_shared>>
      %dma_start3A_142 = tpu.memref_squeeze %dma_start3A_141 : memref<1x1x128x64xf32, #tpu.memory_space<vmem_shared>> -> memref<128x64xf32, #tpu.memory_space<vmem_shared>>
      %dma_start3A_143 = arith.constant 0 : i32
      %dma_start3A_144 = tpu.memref_slice %arg7[%rem3A_132, %dma_start3A_143] : memref<400x64xf32, #tpu.memory_space<vmem>> -> memref<128x64xf32, #tpu.memory_space<vmem>>
      tpu.enqueue_dma source(%dma_start3A_144 : memref<128x64xf32, #tpu.memory_space<vmem>>) target(%dma_start3A_142 : memref<128x64xf32, #tpu.memory_space<vmem_shared>>) target_semaphore(%arg12 : memref<!tpu.dma_semaphore, #tpu.memory_space<semaphore_mem>>)
      %dma_start3A_145 = arith.constant 0 : i32
      %dma_start3A_146 = arith.constant 0 : i32
      %dma_start3A_147 = tpu.memref_slice %arg9[%scan3A_68, %dma_start3A_145, %dma_start3A_146] : memref<2x128x64xf32, #tpu.memory_space<vmem>> -> memref<1x128x64xf32, #tpu.memory_space<vmem>>
      %dma_start3A_148 = tpu.memref_squeeze %dma_start3A_147 : memref<1x128x64xf32, #tpu.memory_space<vmem>> -> memref<128x64xf32, #tpu.memory_space<vmem>>
      %dma_start3A_149 = arith.constant 0 : i32
      %dma_start3A_150 = tpu.memref_slice %arg6[%add3A_123, %dma_start3A_149] : memref<200x128xi32, #tpu.memory_space<vmem>> -> memref<1x128xi32, #tpu.memory_space<vmem>>
      %dma_start3A_151 = tpu.memref_squeeze %dma_start3A_150 : memref<1x128xi32, #tpu.memory_space<vmem>> -> memref<128xi32, #tpu.memory_space<vmem>>
      %dma_start3A_152 = arith.constant 0 : i32
      %dma_start3A_153 = arith.constant 0 : i32
      %dma_start3A_154 = tpu.memref_slice %arg3[%dma_start3A_152, %dma_start3A_153] : memref<1000000x64xf32, #tpu.memory_space<hbm>> -> memref<1000000x64xf32, #tpu.memory_space<hbm>>
      tpu.enqueue_indirect_dma source(%dma_start3A_154 : memref<1000000x64xf32, #tpu.memory_space<hbm>>) target(%dma_start3A_148 : memref<128x64xf32, #tpu.memory_space<vmem>>) offsets(%dma_start3A_151 : memref<128xi32, #tpu.memory_space<vmem>>) semaphore(%arg14 : memref<!tpu.dma_semaphore, #tpu.memory_space<semaphore_mem>>)
      %add3A_155 = arith.constant 0 : i32
      %add3A_156 = arith.addi %mul3A_93, %add3A_155 : i32
      %mul3A_157 = arith.constant 128 : i32
      %mul3A_158 = arith.muli %add3A_156, %mul3A_157 : i32
      %rem3A_159 = arith.constant 200 : i32
      %rem3A_160 = arith.remsi %mul3A_158, %rem3A_159 : i32
      %dma_wait3A_161 = arith.constant 0 : i32
      %dma_wait3A_162 = tpu.memref_slice %arg7[%rem3A_160, %dma_wait3A_161] : memref<400x64xf32, #tpu.memory_space<vmem>> -> memref<128x64xf32, #tpu.memory_space<vmem>>
      %dma_wait3A_163 = arith.constant 0 : i32
      %dma_wait3A_164 = arith.constant 0 : i32
      %dma_wait3A_165 = tpu.memref_slice %arg10[%arg1, %scan3A_65, %dma_wait3A_163, %dma_wait3A_164] : memref<16x2x128x64xf32, #tpu.memory_space<vmem_shared>> -> memref<1x1x128x64xf32, #tpu.memory_space<vmem_shared>>
      %dma_wait3A_166 = tpu.memref_squeeze %dma_wait3A_165 : memref<1x1x128x64xf32, #tpu.memory_space<vmem_shared>> -> memref<128x64xf32, #tpu.memory_space<vmem_shared>>
      %dma_wait3A_167 = arith.constant 0 : i32
      %dma_wait3A_168 = arith.constant 0 : i32
      %dma_wait3A_169 = tpu.memref_slice %arg10[%arg1, %scan3A_65, %dma_wait3A_167, %dma_wait3A_168] : memref<16x2x128x64xf32, #tpu.memory_space<vmem_shared>> -> memref<1x1x128x64xf32, #tpu.memory_space<vmem_shared>>
      %dma_wait3A_170 = tpu.memref_squeeze %dma_wait3A_169 : memref<1x1x128x64xf32, #tpu.memory_space<vmem_shared>> -> memref<128x64xf32, #tpu.memory_space<vmem_shared>>
      %dma_wait3A_171 = arith.constant 0 : i32
      %dma_wait3A_172 = tpu.memref_slice %arg7[%rem3A_160, %dma_wait3A_171] : memref<400x64xf32, #tpu.memory_space<vmem>> -> memref<128x64xf32, #tpu.memory_space<vmem>>
      tpu.wait_dma2 semaphore(%arg11 : memref<!tpu.dma_semaphore, #tpu.memory_space<semaphore_mem>>) src(%dma_wait3A_172 : memref<128x64xf32, #tpu.memory_space<vmem>>) dst(%dma_wait3A_170 : memref<128x64xf32, #tpu.memory_space<vmem_shared>>)
      %dma_wait3A_173 = arith.constant 0 : i32
      %dma_wait3A_174 = arith.constant 0 : i32
      %dma_wait3A_175 = tpu.memref_slice %arg9[%scan3A_66, %dma_wait3A_173, %dma_wait3A_174] : memref<2x128x64xf32, #tpu.memory_space<vmem>> -> memref<1x128x64xf32, #tpu.memory_space<vmem>>
      %dma_wait3A_176 = tpu.memref_squeeze %dma_wait3A_175 : memref<1x128x64xf32, #tpu.memory_space<vmem>> -> memref<128x64xf32, #tpu.memory_space<vmem>>
      %dma_wait3A_177 = arith.constant 0 : i32
      %dma_wait3A_178 = tpu.memref_slice %arg6[%add3A_156, %dma_wait3A_177] : memref<200x128xi32, #tpu.memory_space<vmem>> -> memref<1x128xi32, #tpu.memory_space<vmem>>
      %dma_wait3A_179 = tpu.memref_squeeze %dma_wait3A_178 : memref<1x128xi32, #tpu.memory_space<vmem>> -> memref<128xi32, #tpu.memory_space<vmem>>
      %dma_wait3A_180 = arith.constant 0 : i32
      %dma_wait3A_181 = arith.constant 0 : i32
      %dma_wait3A_182 = tpu.memref_slice %arg3[%dma_wait3A_180, %dma_wait3A_181] : memref<1000000x64xf32, #tpu.memory_space<hbm>> -> memref<1000000x64xf32, #tpu.memory_space<hbm>>
      tpu.wait_indirect_dma semaphore(%arg13 : memref<!tpu.dma_semaphore, #tpu.memory_space<semaphore_mem>>) src(%dma_wait3A_182 : memref<1000000x64xf32, #tpu.memory_space<hbm>>) dst(%dma_wait3A_176 : memref<128x64xf32, #tpu.memory_space<vmem>>)
      %dma_start3A_183 = arith.constant 0 : i32
      %dma_start3A_184 = arith.constant 0 : i32
      %dma_start3A_185 = tpu.memref_slice %arg9[%scan3A_66, %dma_start3A_183, %dma_start3A_184] : memref<2x128x64xf32, #tpu.memory_space<vmem>> -> memref<1x128x64xf32, #tpu.memory_space<vmem>>
      %dma_start3A_186 = tpu.memref_squeeze %dma_start3A_185 : memref<1x128x64xf32, #tpu.memory_space<vmem>> -> memref<128x64xf32, #tpu.memory_space<vmem>>
      %dma_start3A_187 = arith.constant 0 : i32
      %dma_start3A_188 = arith.constant 0 : i32
      %dma_start3A_189 = tpu.memref_slice %arg10[%arg1, %scan3A_65, %dma_start3A_187, %dma_start3A_188] : memref<16x2x128x64xf32, #tpu.memory_space<vmem_shared>> -> memref<1x1x128x64xf32, #tpu.memory_space<vmem_shared>>
      %dma_start3A_190 = tpu.memref_squeeze %dma_start3A_189 : memref<1x1x128x64xf32, #tpu.memory_space<vmem_shared>> -> memref<128x64xf32, #tpu.memory_space<vmem_shared>>
      %dma_start3A_191 = arith.constant 0 : i32
      %dma_start3A_192 = arith.constant 0 : i32
      %dma_start3A_193 = tpu.memref_slice %dma_start3A_190[%dma_start3A_191, %dma_start3A_192] : memref<128x64xf32, #tpu.memory_space<vmem_shared>> -> memref<128x64xf32, #tpu.memory_space<vmem_shared>>
      tpu.enqueue_indirect_dma source(%dma_start3A_186 : memref<128x64xf32, #tpu.memory_space<vmem>>) target(%dma_start3A_193 : memref<128x64xf32, #tpu.memory_space<vmem_shared>>) offsets(%arg8 : memref<128xi32, #tpu.memory_space<vmem>>) semaphore(%arg15 : memref<!tpu.dma_semaphore, #tpu.memory_space<semaphore_mem>>) {add = true}
      %add3A_194 = arith.constant 1 : i32
      %add3A_195 = arith.addi %mul3A_93, %add3A_194 : i32
      %mul3A_196 = arith.constant 128 : i32
      %mul3A_197 = arith.muli %add3A_195, %mul3A_196 : i32
      %rem3A_198 = arith.constant 200 : i32
      %rem3A_199 = arith.remsi %mul3A_197, %rem3A_198 : i32
      %dma_wait3A_200 = arith.constant 0 : i32
      %dma_wait3A_201 = tpu.memref_slice %arg7[%rem3A_199, %dma_wait3A_200] : memref<400x64xf32, #tpu.memory_space<vmem>> -> memref<128x64xf32, #tpu.memory_space<vmem>>
      %dma_wait3A_202 = arith.constant 0 : i32
      %dma_wait3A_203 = arith.constant 0 : i32
      %dma_wait3A_204 = tpu.memref_slice %arg10[%arg1, %scan3A_67, %dma_wait3A_202, %dma_wait3A_203] : memref<16x2x128x64xf32, #tpu.memory_space<vmem_shared>> -> memref<1x1x128x64xf32, #tpu.memory_space<vmem_shared>>
      %dma_wait3A_205 = tpu.memref_squeeze %dma_wait3A_204 : memref<1x1x128x64xf32, #tpu.memory_space<vmem_shared>> -> memref<128x64xf32, #tpu.memory_space<vmem_shared>>
      %dma_wait3A_206 = arith.constant 0 : i32
      %dma_wait3A_207 = arith.constant 0 : i32
      %dma_wait3A_208 = tpu.memref_slice %arg10[%arg1, %scan3A_67, %dma_wait3A_206, %dma_wait3A_207] : memref<16x2x128x64xf32, #tpu.memory_space<vmem_shared>> -> memref<1x1x128x64xf32, #tpu.memory_space<vmem_shared>>
      %dma_wait3A_209 = tpu.memref_squeeze %dma_wait3A_208 : memref<1x1x128x64xf32, #tpu.memory_space<vmem_shared>> -> memref<128x64xf32, #tpu.memory_space<vmem_shared>>
      %dma_wait3A_210 = arith.constant 0 : i32
      %dma_wait3A_211 = tpu.memref_slice %arg7[%rem3A_199, %dma_wait3A_210] : memref<400x64xf32, #tpu.memory_space<vmem>> -> memref<128x64xf32, #tpu.memory_space<vmem>>
      tpu.wait_dma2 semaphore(%arg12 : memref<!tpu.dma_semaphore, #tpu.memory_space<semaphore_mem>>) src(%dma_wait3A_211 : memref<128x64xf32, #tpu.memory_space<vmem>>) dst(%dma_wait3A_209 : memref<128x64xf32, #tpu.memory_space<vmem_shared>>)
      %dma_wait3A_212 = arith.constant 0 : i32
      %dma_wait3A_213 = arith.constant 0 : i32
      %dma_wait3A_214 = tpu.memref_slice %arg9[%scan3A_68, %dma_wait3A_212, %dma_wait3A_213] : memref<2x128x64xf32, #tpu.memory_space<vmem>> -> memref<1x128x64xf32, #tpu.memory_space<vmem>>
      %dma_wait3A_215 = tpu.memref_squeeze %dma_wait3A_214 : memref<1x128x64xf32, #tpu.memory_space<vmem>> -> memref<128x64xf32, #tpu.memory_space<vmem>>
      %dma_wait3A_216 = arith.constant 0 : i32
      %dma_wait3A_217 = tpu.memref_slice %arg6[%add3A_195, %dma_wait3A_216] : memref<200x128xi32, #tpu.memory_space<vmem>> -> memref<1x128xi32, #tpu.memory_space<vmem>>
      %dma_wait3A_218 = tpu.memref_squeeze %dma_wait3A_217 : memref<1x128xi32, #tpu.memory_space<vmem>> -> memref<128xi32, #tpu.memory_space<vmem>>
      %dma_wait3A_219 = arith.constant 0 : i32
      %dma_wait3A_220 = arith.constant 0 : i32
      %dma_wait3A_221 = tpu.memref_slice %arg3[%dma_wait3A_219, %dma_wait3A_220] : memref<1000000x64xf32, #tpu.memory_space<hbm>> -> memref<1000000x64xf32, #tpu.memory_space<hbm>>
      tpu.wait_indirect_dma semaphore(%arg14 : memref<!tpu.dma_semaphore, #tpu.memory_space<semaphore_mem>>) src(%dma_wait3A_221 : memref<1000000x64xf32, #tpu.memory_space<hbm>>) dst(%dma_wait3A_215 : memref<128x64xf32, #tpu.memory_space<vmem>>)
      %dma_start3A_222 = arith.constant 0 : i32
      %dma_start3A_223 = arith.constant 0 : i32
      %dma_start3A_224 = tpu.memref_slice %arg9[%scan3A_68, %dma_start3A_222, %dma_start3A_223] : memref<2x128x64xf32, #tpu.memory_space<vmem>> -> memref<1x128x64xf32, #tpu.memory_space<vmem>>
      %dma_start3A_225 = tpu.memref_squeeze %dma_start3A_224 : memref<1x128x64xf32, #tpu.memory_space<vmem>> -> memref<128x64xf32, #tpu.memory_space<vmem>>
      %dma_start3A_226 = arith.constant 0 : i32
      %dma_start3A_227 = arith.constant 0 : i32
      %dma_start3A_228 = tpu.memref_slice %arg10[%arg1, %scan3A_67, %dma_start3A_226, %dma_start3A_227] : memref<16x2x128x64xf32, #tpu.memory_space<vmem_shared>> -> memref<1x1x128x64xf32, #tpu.memory_space<vmem_shared>>
      %dma_start3A_229 = tpu.memref_squeeze %dma_start3A_228 : memref<1x1x128x64xf32, #tpu.memory_space<vmem_shared>> -> memref<128x64xf32, #tpu.memory_space<vmem_shared>>
      %dma_start3A_230 = arith.constant 0 : i32
      %dma_start3A_231 = arith.constant 0 : i32
      %dma_start3A_232 = tpu.memref_slice %dma_start3A_229[%dma_start3A_230, %dma_start3A_231] : memref<128x64xf32, #tpu.memory_space<vmem_shared>> -> memref<128x64xf32, #tpu.memory_space<vmem_shared>>
      tpu.enqueue_indirect_dma source(%dma_start3A_225 : memref<128x64xf32, #tpu.memory_space<vmem>>) target(%dma_start3A_232 : memref<128x64xf32, #tpu.memory_space<vmem_shared>>) offsets(%arg8 : memref<128xi32, #tpu.memory_space<vmem>>) semaphore(%arg16 : memref<!tpu.dma_semaphore, #tpu.memory_space<semaphore_mem>>) {add = true}
      %add3A_233 = arith.constant 0 : i32
      %add3A_234 = arith.addi %mul3A_93, %add3A_233 : i32
      %dma_wait3A_235 = arith.constant 0 : i32
      %dma_wait3A_236 = arith.constant 0 : i32
      %dma_wait3A_237 = tpu.memref_slice %arg9[%scan3A_66, %dma_wait3A_235, %dma_wait3A_236] : memref<2x128x64xf32, #tpu.memory_space<vmem>> -> memref<1x128x64xf32, #tpu.memory_space<vmem>>
      %dma_wait3A_238 = tpu.memref_squeeze %dma_wait3A_237 : memref<1x128x64xf32, #tpu.memory_space<vmem>> -> memref<128x64xf32, #tpu.memory_space<vmem>>
      %dma_wait3A_239 = arith.constant 0 : i32
      %dma_wait3A_240 = arith.constant 0 : i32
      %dma_wait3A_241 = tpu.memref_slice %arg10[%arg1, %scan3A_65, %dma_wait3A_239, %dma_wait3A_240] : memref<16x2x128x64xf32, #tpu.memory_space<vmem_shared>> -> memref<1x1x128x64xf32, #tpu.memory_space<vmem_shared>>
      %dma_wait3A_242 = tpu.memref_squeeze %dma_wait3A_241 : memref<1x1x128x64xf32, #tpu.memory_space<vmem_shared>> -> memref<128x64xf32, #tpu.memory_space<vmem_shared>>
      %dma_wait3A_243 = arith.constant 0 : i32
      %dma_wait3A_244 = arith.constant 0 : i32
      %dma_wait3A_245 = tpu.memref_slice %dma_wait3A_242[%dma_wait3A_243, %dma_wait3A_244] : memref<128x64xf32, #tpu.memory_space<vmem_shared>> -> memref<128x64xf32, #tpu.memory_space<vmem_shared>>
      tpu.wait_indirect_dma semaphore(%arg15 : memref<!tpu.dma_semaphore, #tpu.memory_space<semaphore_mem>>) src(%dma_wait3A_238 : memref<128x64xf32, #tpu.memory_space<vmem>>) dst(%dma_wait3A_245 : memref<128x64xf32, #tpu.memory_space<vmem_shared>>)
      %mul3A_246 = arith.constant 128 : i32
      %mul3A_247 = arith.muli %add3A_234, %mul3A_246 : i32
      %add3A_248 = arith.addi %mul3A_2, %mul3A_247 : i32
      %dma_start3A_249 = arith.constant 0 : i32
      %dma_start3A_250 = tpu.memref_slice %arg5[%add3A_248, %dma_start3A_249] : memref<819200x64xf32, #tpu.memory_space<hbm>> -> memref<128x64xf32, #tpu.memory_space<hbm>>
      %dma_start3A_251 = arith.constant 0 : i32
      %dma_start3A_252 = arith.constant 0 : i32
      %dma_start3A_253 = tpu.memref_slice %arg10[%arg1, %scan3A_65, %dma_start3A_251, %dma_start3A_252] : memref<16x2x128x64xf32, #tpu.memory_space<vmem_shared>> -> memref<1x1x128x64xf32, #tpu.memory_space<vmem_shared>>
      %dma_start3A_254 = tpu.memref_squeeze %dma_start3A_253 : memref<1x1x128x64xf32, #tpu.memory_space<vmem_shared>> -> memref<128x64xf32, #tpu.memory_space<vmem_shared>>
      tpu.enqueue_dma source(%dma_start3A_254 : memref<128x64xf32, #tpu.memory_space<vmem_shared>>) target(%dma_start3A_250 : memref<128x64xf32, #tpu.memory_space<hbm>>) target_semaphore(%arg17 : memref<!tpu.dma_semaphore, #tpu.memory_space<semaphore_mem>>)
      %add3A_255 = arith.constant 1 : i32
      %add3A_256 = arith.addi %mul3A_93, %add3A_255 : i32
      %dma_wait3A_257 = arith.constant 0 : i32
      %dma_wait3A_258 = arith.constant 0 : i32
      %dma_wait3A_259 = tpu.memref_slice %arg9[%scan3A_68, %dma_wait3A_257, %dma_wait3A_258] : memref<2x128x64xf32, #tpu.memory_space<vmem>> -> memref<1x128x64xf32, #tpu.memory_space<vmem>>
      %dma_wait3A_260 = tpu.memref_squeeze %dma_wait3A_259 : memref<1x128x64xf32, #tpu.memory_space<vmem>> -> memref<128x64xf32, #tpu.memory_space<vmem>>
      %dma_wait3A_261 = arith.constant 0 : i32
      %dma_wait3A_262 = arith.constant 0 : i32
      %dma_wait3A_263 = tpu.memref_slice %arg10[%arg1, %scan3A_67, %dma_wait3A_261, %dma_wait3A_262] : memref<16x2x128x64xf32, #tpu.memory_space<vmem_shared>> -> memref<1x1x128x64xf32, #tpu.memory_space<vmem_shared>>
      %dma_wait3A_264 = tpu.memref_squeeze %dma_wait3A_263 : memref<1x1x128x64xf32, #tpu.memory_space<vmem_shared>> -> memref<128x64xf32, #tpu.memory_space<vmem_shared>>
      %dma_wait3A_265 = arith.constant 0 : i32
      %dma_wait3A_266 = arith.constant 0 : i32
      %dma_wait3A_267 = tpu.memref_slice %dma_wait3A_264[%dma_wait3A_265, %dma_wait3A_266] : memref<128x64xf32, #tpu.memory_space<vmem_shared>> -> memref<128x64xf32, #tpu.memory_space<vmem_shared>>
      tpu.wait_indirect_dma semaphore(%arg16 : memref<!tpu.dma_semaphore, #tpu.memory_space<semaphore_mem>>) src(%dma_wait3A_260 : memref<128x64xf32, #tpu.memory_space<vmem>>) dst(%dma_wait3A_267 : memref<128x64xf32, #tpu.memory_space<vmem_shared>>)
      %mul3A_268 = arith.constant 128 : i32
      %mul3A_269 = arith.muli %add3A_256, %mul3A_268 : i32
      %add3A_270 = arith.addi %mul3A_2, %mul3A_269 : i32
      %dma_start3A_271 = arith.constant 0 : i32
      %dma_start3A_272 = tpu.memref_slice %arg5[%add3A_270, %dma_start3A_271] : memref<819200x64xf32, #tpu.memory_space<hbm>> -> memref<128x64xf32, #tpu.memory_space<hbm>>
      %dma_start3A_273 = arith.constant 0 : i32
      %dma_start3A_274 = arith.constant 0 : i32
      %dma_start3A_275 = tpu.memref_slice %arg10[%arg1, %scan3A_67, %dma_start3A_273, %dma_start3A_274] : memref<16x2x128x64xf32, #tpu.memory_space<vmem_shared>> -> memref<1x1x128x64xf32, #tpu.memory_space<vmem_shared>>
      %dma_start3A_276 = tpu.memref_squeeze %dma_start3A_275 : memref<1x1x128x64xf32, #tpu.memory_space<vmem_shared>> -> memref<128x64xf32, #tpu.memory_space<vmem_shared>>
      tpu.enqueue_dma source(%dma_start3A_276 : memref<128x64xf32, #tpu.memory_space<vmem_shared>>) target(%dma_start3A_272 : memref<128x64xf32, #tpu.memory_space<hbm>>) target_semaphore(%arg18 : memref<!tpu.dma_semaphore, #tpu.memory_space<semaphore_mem>>)
    }
    %scan3A_73 = arith.constant 100 : i32
    %add3A_74 = arith.constant 25344 : i32
    %add3A_75 = arith.addi %mul3A_2, %add3A_74 : i32
    %dma_wait3A = arith.constant 0 : i32
    %dma_wait3A_76 = arith.constant 0 : i32
    %dma_wait3A_77 = tpu.memref_slice %arg5[%add3A_75, %dma_wait3A_76] : memref<819200x64xf32, #tpu.memory_space<hbm>> -> memref<128x64xf32, #tpu.memory_space<hbm>>
    %dma_wait3A_78 = arith.constant 0 : i32
    %dma_wait3A_79 = arith.constant 0 : i32
    %dma_wait3A_80 = tpu.memref_slice %arg10[%arg1, %dma_wait3A, %dma_wait3A_78, %dma_wait3A_79] : memref<16x2x128x64xf32, #tpu.memory_space<vmem_shared>> -> memref<1x1x128x64xf32, #tpu.memory_space<vmem_shared>>
    %dma_wait3A_81 = tpu.memref_squeeze %dma_wait3A_80 : memref<1x1x128x64xf32, #tpu.memory_space<vmem_shared>> -> memref<128x64xf32, #tpu.memory_space<vmem_shared>>
    tpu.wait_dma2 semaphore(%arg17 : memref<!tpu.dma_semaphore, #tpu.memory_space<semaphore_mem>>) src(%dma_wait3A_81 : memref<128x64xf32, #tpu.memory_space<vmem_shared>>) dst(%dma_wait3A_77 : memref<128x64xf32, #tpu.memory_space<hbm>>)
    %add3A_82 = arith.constant 25472 : i32
    %add3A_83 = arith.addi %mul3A_2, %add3A_82 : i32
    %dma_wait3A_84 = arith.constant 1 : i32
    %dma_wait3A_85 = arith.constant 0 : i32
    %dma_wait3A_86 = tpu.memref_slice %arg5[%add3A_83, %dma_wait3A_85] : memref<819200x64xf32, #tpu.memory_space<hbm>> -> memref<128x64xf32, #tpu.memory_space<hbm>>
    %dma_wait3A_87 = arith.constant 0 : i32
    %dma_wait3A_88 = arith.constant 0 : i32
    %dma_wait3A_89 = tpu.memref_slice %arg10[%arg1, %dma_wait3A_84, %dma_wait3A_87, %dma_wait3A_88] : memref<16x2x128x64xf32, #tpu.memory_space<vmem_shared>> -> memref<1x1x128x64xf32, #tpu.memory_space<vmem_shared>>
    %dma_wait3A_90 = tpu.memref_squeeze %dma_wait3A_89 : memref<1x1x128x64xf32, #tpu.memory_space<vmem_shared>> -> memref<128x64xf32, #tpu.memory_space<vmem_shared>>
    tpu.wait_dma2 semaphore(%arg18 : memref<!tpu.dma_semaphore, #tpu.memory_space<semaphore_mem>>) src(%dma_wait3A_90 : memref<128x64xf32, #tpu.memory_space<vmem_shared>>) dst(%dma_wait3A_86 : memref<128x64xf32, #tpu.memory_space<hbm>>)
    return
  }
}

</mosaic_0001>

<sc_bundles>
// kernel: kernel.3.cloned.1.call-start
scs
__scs_entry_jumppad:
0x0: {  	(pc) =	sbr.rel $0x88, $3  }
0x1: {  	(tag) =	ssettag $0x0;
	lr =	simm.s32 $0x1  }
0x2: {  	[smem:$0x3F9E] =	sst lr;
	_ =	strace $0xD0000000  }
0x3: {  	_ = 	snop  }
0x4: {  	_ = 	snop  }
0x5: {  	_ = 	snop  }
0x6: {  	_ = 	snop  }
0x7: {  	_ = 	snop  }
__scs_overlays_trampoline_lowered:
0x8: {  	[smem:$0x3FAD] =	sst s0  }
0x9: {  	[smem:$0x3FAE] =	sst s1  }
0xa: {  	[smem:$0x3FAF] =	sst s2  }
0xb: {  	[smem:$0x3FB0] =	sst s3  }
0xc: {  	[smem:$0x3FB1] =	sst s4  }
0xd: {  	[smem:$0x3FB2] =	sst s5  }
0xe: {  	[smem:$0x3FB3] =	sst s6  }
0xf: {  	[smem:$0x3FB4] =	sst s7  }
0x10: {  	[smem:$0x3FB5] =	sst s8  }
0x11: {  	[smem:$0x3FB6] =	sst s9;
	s0 =	simm.s32 @!p0 $0x0  }
0x12: {  	s1 =	sld [smem:$0x3F9C];
	s0 =	simm.s32 @p0 $0x1  }
0x13: {  	[smem:$0x3FB7] =	sst s0;
	s0 =	simm.s32 @!p1 $0x0  }
0x14: {  	s2 =	sld [smem:$0x3F9B];
	s0 =	simm.s32 @p1 $0x1  }
0x15: {  	[smem:$0x3FB8] =	sst s0;
	s0 =	simm.s32 @!p2 $0x0  }
0x16: {  	s3 =	sld [smem:$0x3FDB];
	s0 =	simm.s32 @p2 $0x1  }
0x17: {  	s4 =	simm.s32 $0x1BF5;
	[smem:$0x3FBA] =	sst s0  }
0x18: {  	s0 =	sld [smem:$0x3F9D];
	_ =	swait.ge [sflag:s4], $0x0  }
0x19: {  	s7 =	sld [smem:$0x3F9E]  }
0x1a: {  	s8 =	sadd.s32 $0xFFFFE003, lr  }
0x1b: {  	s9 =	sadd.s32 $0xFFFFFEF7, lr;
	s5 =	simm.s32 $0xFFFFFFFF;
	p2 =	slt.u32 s8, $0xFFFFF086  }
0x1c: {  	p1 =	slt.u32 s9, $0xF7A;
	s5 =	simm.s32 @!p2 $0x0  }
0x1d: {  	s5 =	simm.s32 @p1 $0x1;
	p0 =	seq.s32 s7, s2  }
0x1e: {  	s7 =	smul.u32 @!p0 $0xF7A, s2;
	p2 =	seq.s32 @!p0 s5, $0x0  }
0x1f: {  	s9 =	smul.u32 $0xF7A, s1;
	s8 =	simm.s32 @!p0 $0x1BF5;
	p2 =	por !p2, p0  }
0x20: {  	[sflag:s8] =	ssyncset.s32 @!p0 $0xFFFFF086;
	s6 =	sadd.s32 @!p0 s3, s7;
	s7 =	simm.s32 @!p0 $0x108  }
0x21: {  	s3 =	sadd.s32 s3, s9;
	s6 =	sadd.s32 @!p0 $0x88, s6;
	s7 =	simm.s32 @p2 $0x1082  }
0x22: {  	[simem:s7], [sflag:s8] =	dma.local @!p0 [hbm:s6], $0xF7A  }
0x23: {  	s9 =	sor.u32 $0xD0000000, s2;
	s6 =	simm.s32 $0x108;
	_ =	swait.ge @!p0 [sflag:s8], $0x0  }
0x24: {  	s3 =	sadd.s32 $0x88, s3;
	s6 =	simm.s32 @!p1 $0x1082;
	[sflag:s4] =	ssyncset.s32 $0xFFFFF086  }
0x25: {  	[simem:s6], [sflag:s4] =	dma.local [hbm:s3], $0xF7A  }
0x26: {  	[smem:$0x3F9E] =	sst s1;
	(tag) =	ssettag s2;
	_ =	strace s9  }
0x27: {  	s1 =	sld [smem:$0x3FAE]  }
0x28: {  	s2 =	sld [smem:$0x3FAF]  }
0x29: {  	s4 =	sld [smem:$0x3FB1]  }
0x2a: {  	p0 =	seq.s32 s5, $0x0;
	s5 =	sld [smem:$0x3FB2]  }
0x2b: {  	s6 =	sld [smem:$0x3FB3]  }
0x2c: {  	s7 =	sld [smem:$0x3FB4]  }
0x2d: {  	s3 =	simm.s32 $0x108;
	s8 =	sld [smem:$0x3FB5]  }
0x2e: {  	s3 =	simm.s32 @!p0 $0x1082;
	s9 =	sld [smem:$0x3FB6]  }
0x2f: {  	lr =	sadd.s32 s0, s3;
	s0 =	sld [smem:$0x3FAD]  }
0x30: {  	s3 =	sld [smem:$0x3FB0]  }
0x31: {  	[smem:$0x3FB9] =	sst s10  }
0x32: {  	s10 =	sld [smem:$0x3FB7];
	_ =	sdelay $0x3  }
0x33: {  	p0 =	seq.s32 s10, $0x1;
	s10 =	sld [smem:$0x3FB9];
	_ =	sdelay $0x3  }
0x34: {  	[smem:$0x3FB9] =	sst s10  }
0x35: {  	s10 =	sld [smem:$0x3FB8];
	_ =	sdelay $0x3  }
0x36: {  	p1 =	seq.s32 s10, $0x1;
	s10 =	sld [smem:$0x3FB9];
	_ =	sdelay $0x3  }
0x37: {  	[smem:$0x3FB9] =	sst s10  }
0x38: {  	s10 =	sld [smem:$0x3FBA]  }
0x39: {  	_ = 	snop;
	(pc) =	sbr.ind lr, $3  }
0x3a: {  	_ = 	snop  }
0x3b: {  	_ = 	snop  }
0x3c: {  	p2 =	seq.s32 s10, $0x1;
	s10 =	sld [smem:$0x3FB9]  }
0x3d: {  	_ =	shalt  }
0x3e: {  	_ =	shalt  }
0x3f: {  	_ =	shalt  }
0x40: {  	_ =	shalt  }
0x41: {  	_ =	shalt  }
0x42: {  	_ =	shalt  }
0x43: {  	_ =	shalt  }
0x44: {  	_ =	shalt  }
0x45: {  	_ =	shalt  }
0x46: {  	_ =	shalt  }
0x47: {  	_ =	shalt  }
0x48: {  	_ =	shalt  }
0x49: {  	_ =	shalt  }
0x4a: {  	_ =	shalt  }
0x4b: {  	_ =	shalt  }
0x4c: {  	_ =	shalt  }
0x4d: {  	_ =	shalt  }
0x4e: {  	_ =	shalt  }
0x4f: {  	_ =	shalt  }
0x50: {  	_ =	shalt  }
0x51: {  	_ =	shalt  }
0x52: {  	_ =	shalt  }
0x53: {  	_ =	shalt  }
0x54: {  	_ =	shalt  }
0x55: {  	_ =	shalt  }
0x56: {  	_ =	shalt  }
0x57: {  	_ =	shalt  }
0x58: {  	_ =	shalt  }
0x59: {  	_ =	shalt  }
0x5a: {  	_ =	shalt  }
0x5b: {  	_ =	shalt  }
0x5c: {  	_ =	shalt  }
0x5d: {  	_ =	shalt  }
0x5e: {  	_ =	shalt  }
0x5f: {  	_ =	shalt  }
0x60: {  	_ =	shalt  }
0x61: {  	_ =	shalt  }
0x62: {  	_ =	shalt  }
0x63: {  	_ =	shalt  }
0x64: {  	_ =	shalt  }
0x65: {  	_ =	shalt  }
0x66: {  	_ =	shalt  }
0x67: {  	_ =	shalt  }
0x68: {  	_ =	shalt  }
0x69: {  	_ =	shalt  }
0x6a: {  	_ =	shalt  }
0x6b: {  	_ =	shalt  }
0x6c: {  	_ =	shalt  }
0x6d: {  	_ =	shalt  }
0x6e: {  	_ =	shalt  }
0x6f: {  	_ =	shalt  }
0x70: {  	_ =	shalt  }
0x71: {  	_ =	shalt  }
0x72: {  	_ =	shalt  }
0x73: {  	_ =	shalt  }
0x74: {  	_ =	shalt  }
0x75: {  	_ =	shalt  }
0x76: {  	_ =	shalt  }
0x77: {  	_ =	shalt  }
0x78: {  	_ =	shalt  }
0x79: {  	_ =	shalt  }
0x7a: {  	_ =	shalt  }
0x7b: {  	_ =	shalt  }
0x7c: {  	_ =	shalt  }
0x7d: {  	_ =	shalt  }
0x7e: {  	_ =	shalt  }
0x7f: {  	_ =	shalt  }
0x80: {  	_ =	shalt  }
0x81: {  	_ =	shalt  }
0x82: {  	_ =	shalt  }
0x83: {  	_ =	shalt  }
0x84: {  	_ =	shalt  }
0x85: {  	_ =	shalt  }
0x86: {  	_ =	shalt  }
0x87: {  	_ =	shalt  }
.Lfunc_end0:
.L_simem_size_0:
called_computation.1_lowered:
.L_overlay_start_0:
0x88: {  	s2 =	sld [smem:$0x3FD9]  }
0x89: {  	s3 =	sld [smem:$0x3FFE];
	_ =	sdelay $0x1  }
0x8a: {  	s1 =	srdreg.scid  }
0x8b: {  	s0 =	sand.u32 $0x1, s1  }
0x8c: {  	s17 =	sshll.u32 s0, $0xA;
	s2 =	sadd.s32 s3, s2  }
0x8d: {  	s2 =	sadd.s32 s2, s17  }
0x8e: {  	[smem:$0x3FC5] =	sst s2  }
0x8f: {  	_ = 	snop  }
0x90: {  	s2 =	sld [smem:$0x3FD0];
	(tm) =	ssettm $0x1  }
0x91: {  	s18 =	sld [smem:$0x3FFB];
	_ =	sdelay $0x3  }
0x92: {  	_ =	strace s18  }
0x93: {  	s3 =	sld [smem:$0x3FFC];
	_ =	sdelay $0x3  }
0x94: {  	_ =	strace s3  }
0x95: {  	s3 =	sld [smem:$0x3FFD];
	_ =	sdelay $0x3  }
0x96: {  	_ =	strace s3  }
0x97: {  	_ =	strace $0x8FFFFFFF  }
0x98: {  	s19 =	sld [smem:$0x3FDB];
	_ =	sdelay $0x1  }
0x99: {  	s4 =	simm.s32 $_scs_section_size  }
0x9a: {  	s5 =	simm.s32 $_size__tile_overlayer_lowered;
	s6 =	simm.s32 $_tile_overlayer_lowered  }
0x9b: {  	s22 =	simm.s32 $0x1BFF;
	s21 =	sshll.u32 s6, $0x1;
	s3 =	sadd.s32 s4, s19  }
0x9c: {  	s7 =	simm.s32 $0x0;
	s20 =	sshll.u32 s5, $0x1;
	s5 =	sadd.s32 s21, s3  }
0x9d: {  	[timem:s7], [sflag:s22] =	dma.local [hbm:s5], s20  }
0x9e: {  	_ =	swait.ge [sflag:s22], s20  }
0x9f: {  	s4 =	ssub.s32 $0x0, s20;
	[sflag:s22] =	ssyncset.done $0x0  }
0xa0: {  	[sflag:s22] =	ssyncadd.s32 s4;
	_ =	sdelay $0x1  }
0xa1: {  	s23 =	simm.s32 $0x1B8B  }
0xa2: {  	_ =	swait.ge [sflag:s23], $0x1  }
0xa3: {  	[sflag:s23] =	ssyncset.done $0x0  }
0xa4: {  	s25 =	simm.s32 $0x1B8E;
	s24 =	sld [smem:$0x3FFE];
	[sflag:s23] =	ssyncadd.s32 $0xFFFFFFFF  }
0xa5: {  	s26 =	simm.s32 $execute0_lowered;
	[smem:$0x3FD2] =	sst s25  }
0xa6: {  	s5 =	sshll.u32 s26, $0x1;
	_ =	strace $0x80000046;
	[dreg:$0x1] =	wrdreg $0xFFFFFFFF  }
0xa7: {  	s28 =	simm.s32 $_size_execute0_lowered;
	s3 =	sadd.s32 s3, s5;
	[dreg:$0x0] =	wrdreg $0x0  }
0xa8: {  	s5 =	sshll.u32 s28, $0x1;
	[dreg:$0x2] =	wrdreg s3  }
0xa9: {  	[dreg:$0x3] =	wrdreg s5  }
0xaa: {  	[dreg:$0x4] =	wrdreg $0xC0  }
0xab: {  	_ =	task [dreg:s7], $0x5FFFF  }
0xac: {  	[dreg:$0x1] =	wrdreg $0xFFFFFFFF  }
0xad: {  	[dreg:$0x0] =	wrdreg $0x60  }
0xae: {  	[dreg:$0x2] =	wrdreg s24  }
0xaf: {  	[dreg:$0x3] =	wrdreg s2  }
0xb0: {  	[dreg:$0x4] =	wrdreg $0x108800  }
0xb1: {  	[dreg:$0x5] =	wrdreg $0x9  }
0xb2: {  	_ =	task.clear_ibuf [dreg:s7], $0x6FFFF;
	_ =	strace $0x90000046  }
0xb3: {  	s29 =	simm.s32 $0x9;
	_ =	strace $0x80000048  }
0xb4: {  	_ =	swait.ge [sflag:s29], $0x1  }
0xb5: {  	[sflag:s29] =	ssyncadd.s32 $0xFFFFFFFF  }
0xb6: {  	_ =	strace $0x90000048  }
0xb7: {  	_ =	sfence  }
0xb8: {  	s30 =	sld [smem:$0x0];
	_ =	sdelay $0x2  }
0xb9: {  	s31 =	sshll.u32 s1, $0xD;
	s1 =	sshrl.u32 s1, $0x2  }
0xba: {  	s3 =	sand.u32 $0x4000, s31;
	s1 =	sadd.s32 s1, s30  }
0xbb: {  	s0 =	sor.u32 s3, s0;
	s1 =	sshll.u32 s1, $0x11  }
0xbc: {  	s0 =	sor.u32 s1, s0  }
0xbd: {  	s0 =	sadd.s32 $0x8F2B, s0  }
0xbe: {  	[sflag:s0] =	ssyncadd.remote.s32 $0x1  }
0xbf: {  	_ =	sfence.sel $0xFFFF  }
0xc0: {  	[dreg:$0x0] =	wrdreg $0xFFFFFFFF;
	(pc) =	sbr.abs _section_cstart, $3  }
0xc1: {  	[dreg:$0x1] =	wrdreg $0xFFFFFFFF  }
0xc2: {  	_ =	task.clear_ibuf [dreg:s7], $0x2FFFF;
	_ =	strace $0x9FFFFFFF  }
0xc3: {  	(tm) =	ssettm $0x7FFFFFFF  }
tec
execute0_lowered:
.L_overlay_start_1:
0x0: {  	(tag) =	ssettag $0x1  }
0x1: {  	s0 =	rddreg [dreg:$0x0]  }
0x2: {  	s1 =	srdreg.scid;
	s2 =	rddreg [dreg:$0x1]  }
0x3: {  	s10 =	stileid.u32;
	s4 =	rddreg [dreg:$0x2]  }
0x4: {  	s5 =	simm.s32 $0x0;
	s14 =	simm.s32 $0x80;
	s15 =	simm.s32 $0xC880  }
0x5: {  	s16 =	simm.s32 $0xE880;
	s17 =	simm.s32 $0x1;
	s18 =	simm.s32 $0x3  }
0x6: {  	s20 =	simm.s32 $0xC800;
	s1 =	sand.u32 $0x1, s1;
	s7 =	smul.u32 $0xC800, s10  }
0x7: {  	s3 =	sshll.u32 s10, $0x1;
	[smem:$0x7FF] =	sst s5;
	s24 =	smul.u32 $0x64000, s10  }
0x8: {  	s23 =	sshll.u32 s10, $0xE;
	s30 =	sshll.u32 s10, $0x6;
	s9 =	smul.u32 $0x6400, s1  }
0x9: {  	s3 =	sor.u32 s1, s3;
	s6 =	ssub.s32 $0x2, s1;
	s1 =	smul.u32 $0x32000, s1  }
0xa: {  	_ =	strace $0x80000047;
	[dreg:$0xb] =	wrdreg s30;
	s3 =	smul.u32 $0x6400, s3  }
0xb: {  	s8 =	sshrl.u32 s6, $0x1;
	s26 =	sadd.s32 s24, s2;
	s24 =	simm.s32 $0x6  }
0xc: {  	s22 =	ssub.s32 s6, s8;
	s7 =	sadd.s32 s9, s7;
	s6 =	sadd.s32 s23, s4  }
0xd: {  	s28 =	sadd.s32 s1, s26;
	s23 =	simm.s32 $0x5;
	s3 =	sshrl.u32 s3, $0x3  }
0xe: {  	[dreg:$0x9] =	wrdreg s28;
	s31 =	sshrl.u32 s6, $0x3;
	s21 =	sadd.s32 s3, s0  }
0xf: {  	s3 =	sadd.s32 $0xF43000, s0;
	s0 =	sadd.s32 $0x19C00, s0;
	[dreg:$0x5] =	wrdreg s31  }
0x10: {  	s25 =	sshll.u32 s7, $0x3;
	[dreg:$0x6] =	wrdreg s0;
	s5 =	sadd.s32 $0xC00, s21  }
0x11: {  	v0 =	vlaneseq.u32;
	s2 =	sadd.s32 s25, s2;
	s0 =	smax.u32 s22, $0x1;
	[dreg:$0x7] =	wrdreg s5  }
0x12: {  	v1 =	vor.u32 $0x10, v0;
	s7 =	sadd.s32 $0x2000, s6;
	s29 =	sadd.s32 $0x400, s2;
	[dreg:$0x8] =	wrdreg s0  }
0x13: {  	v2 =	vor.u32 $0x20, v0;
	v3 =	vor.u32 $0x30, v0;
	v4 =	vor.u32 $0x40, v0;
	s21 =	simm.s32 $0x2;
	[dreg:$0xa] =	wrdreg s29;
	s0 =	sor.u32 $0x1C07, s30  }
0x14: {  	v5 =	vor.u32 $0x50, v0;
	v6 =	vor.u32 $0x60, v0;
	v7 =	vor.u32 $0x70, v0;
	s22 =	simm.s32 $0x4;
	s2 =	simm.s32 $0x0;
	[dreg:$0x4] =	wrdreg s0  }
.LBB2_1:
0x15: {  	[dreg:$0xc] =	wrdreg s2  }
0x16: {  	s4 =	simm.s32 $0x0;
	s0 =	rddreg [dreg:$0x7];
	s1 =	simm.s32 $0x9  }
0x17: {  	[tilespmem:s4], [sflag:$0x9] =	stream.linear.gather [hbm4b:s0+s4], $0x6400, $0x38;
	[tilespmem:$0x14880] =	vst v63  }
0x18: {  	_ =	swait.ge [sflag:s1], $0x6400  }
0x19: {  	[sflag:s1] =	ssyncset.done $0x0  }
0x1a: {  	s8 =	simm.s32 $0x6400;
	s5 =	rddreg [dreg:$0x6];
	[sflag:s1] =	ssyncadd.s32 $0xFFFF9C00  }
0x1b: {  	[tilespmem:s8], [sflag:$0x9] =	stream.linear.gather [hbm4b:s5+s4], $0x3200, $0x38;
	[tilespmem:$0x14880] =	vst v63  }
0x1c: {  	_ =	swait.ge [sflag:s1], $0x3200  }
0x1d: {  	[sflag:s1] =	ssyncset.done $0x0  }
0x1e: {  	s9 =	simm.s32 $0x9600;
	[sflag:s1] =	ssyncadd.s32 $0xFFFFCE00  }
0x1f: {  	[tilespmem:s9], [sflag:$0x9] =	stream.linear.gather [hbm4b:s5+s4], $0x3200, $0x38;
	[tilespmem:$0x14880] =	vst v63  }
0x20: {  	_ =	swait.ge [sflag:s1], $0x3200  }
0x21: {  	[sflag:s1] =	ssyncset.done $0x0  }
0x22: {  	[sflag:s1] =	ssyncadd.s32 $0xFFFFCE00  }
0x23: {  	s10 =	sand.u32 $0xFFF8, s4;
	[tilespmem:$0xC800] =	vst v0  }
0x24: {  	s0 =	sshrl.u32 s10, $0x3;
	[tilespmem:$0xC810] =	vst v1  }
0x25: {  	s0 =	smul.u32 $0x147B, s0;
	[tilespmem:$0xC820] =	vst v2  }
0x26: {  	[tilespmem:$0xC830] =	vst v3  }
0x27: {  	p0 =	por $0x1, $0x1;
	s11 =	simm.s32 $0x80;
	s0 =	sshrl.u32 s0, $0x11;
	[tilespmem:$0xC840] =	vst v4  }
0x28: {  	p0 =	por p0, p0;
	s0 =	smul.u32 $0xC8, s0;
	s1 =	sand.u32 $0xFFF8, s11;
	[tilespmem:$0xC850] =	vst v5  }
0x29: {  	p0 =	por p0, p0;
	[tilespmem:$0xC860] =	vst v6;
	s1 =	sshrl.u32 s1, $0x3  }
0x2a: {  	s2 =	simm.s32 @!p0 $0x7;
	s0 =	ssub.s32 $0x0, s0;
	[tilespmem:$0xC870] =	vst v7;
	s1 =	smul.u32 $0x147B, s1  }
0x2b: {  	s0 =	sshll.u32 s0, $0x6;
	_ =	swait.ge @!p0 [sflag:s2], $0x400  }
0x2c: {  	s0 =	sand.u32 $0x3FC0, s0;
	[sflag:s2] =	ssyncset.done @!p0 $0x0;
	s1 =	sshrl.u32 s1, $0x11  }
0x2d: {  	s0 =	sadd.s32 $0x6400, s0;
	[sflag:s2] =	ssyncadd.s32 @!p0 $0xFFFFFC00;
	s1 =	smul.u32 $0xC8, s1  }
0x2e: {  	[spmem:s6] =	stream.linear.scatter [tilespmem:s0], [sflag:$0x1], $0x2000, $0x38;
	[tilespmem:$0x14880] =	vst v63  }
0x2f: {  	s12 =	ssub.s32 $0x80, s1;
	s1 =	simm.s32 @!p0 $0x8  }
0x30: {  	[tilespmem:s15], [sflag:$0x3] =	stream.indirect.gather [hbm4b:s3+s14], $0x40, s4, s14, $0xb8;
	[tilespmem:$0x14880] =	vst v63  }
0x31: {  	s0 =	sshll.u32 s12, $0x6;
	_ =	swait.ge @!p0 [sflag:s1], $0x400  }
0x32: {  	s0 =	sand.u32 $0x3FC0, s0;
	[sflag:s1] =	ssyncset.done @!p0 $0x0  }
0x33: {  	[sflag:s1] =	ssyncadd.s32 @!p0 $0xFFFFFC00;
	s0 =	sadd.s32 $0x6400, s0  }
0x34: {  	[spmem:s7] =	stream.linear.scatter [tilespmem:s0], [sflag:$0x2], $0x2000, $0x38;
	[tilespmem:$0x14880] =	vst v63  }
0x35: {  	s13 =	simm.s32 $0x80  }
0x36: {  	[tilespmem:s16], [sflag:$0x4] =	stream.indirect.gather [hbm4b:s3+s14], $0x40, s13, s14, $0xb8;
	[tilespmem:$0x14880] =	vst v63  }
0x37: {  	s29 =	simm.s32 $0x100;
	p6 =	por $0x0, $0x0;
	_ =	swait.ge [sflag:s17], $0x2000  }
0x38: {  	p2 =	por $0x0, $0x0;
	s30 =	sshrl.u32 s7, $0x3;
	[sflag:s17] =	ssyncset.done $0x0  }
0x39: {  	s19 =	sand.u32 $0xFFF8, s29;
	s8 =	simm.s32 $0x300;
	[sflag:s17] =	ssyncadd.s32 $0xFFFFE000  }
0x3a: {  	s4 =	simm.s32 $0x180;
	s12 =	simm.s32 $0x200;
	_ =	swait.ge [sflag:s18], $0x2000  }
0x3b: {  	s25 =	sand.u32 $0xFFF8, s4;
	s0 =	sshrl.u32 s19, $0x3;
	[sflag:s18] =	ssyncset.done $0x0  }
0x3c: {  	p0 =	por p6, p6;
	s0 =	smul.u32 $0x147B, s0;
	[sflag:s18] =	ssyncadd.s32 $0xFFFFE000  }
0x3d: {  	[spmem:s6] =	stream.indirect.scatter.add.f32 [tilespmem:s15], [sflag:$0x5], $0x40, s20, s14, $0xb8;
	[tilespmem:$0x14880] =	vst v63  }
0x3e: {  	s1 =	sshrl.u32 s25, $0x3;
	s0 =	sshrl.u32 s0, $0x11;
	_ =	swait.ge [sflag:s21], $0x2000  }
0x3f: {  	p1 =	por p0, p0;
	s0 =	smul.u32 $0xC8, s0;
	[sflag:s21] =	ssyncset.done $0x0  }
0x40: {  	p0 =	por p2, p2;
	s19 =	rddreg [dreg:$0xa];
	[sflag:s21] =	ssyncadd.s32 $0xFFFFE000  }
0x41: {  	s0 =	ssub.s32 $0x100, s0;
	s11 =	rddreg [dreg:$0x9];
	_ =	swait.ge [sflag:s22], $0x2000  }
0x42: {  	s1 =	smul.u32 $0x147B, s1;
	s0 =	sshll.u32 s0, $0x6;
	[sflag:s22] =	ssyncset.done $0x0  }
0x43: {  	s2 =	simm.s32 @!p1 $0x7;
	s0 =	sand.u32 $0x3FC0, s0;
	[sflag:s22] =	ssyncadd.s32 $0xFFFFE000  }
0x44: {  	[spmem:s7] =	stream.indirect.scatter.add.f32 [tilespmem:s16], [sflag:$0x6], $0x40, s20, s14, $0xb8;
	[tilespmem:$0x14880] =	vst v63  }
0x45: {  	s28 =	sshrl.u32 s1, $0x11;
	s25 =	sadd.s32 $0x6400, s0;
	_ =	swait.ge [sflag:s23], $0x2000  }
0x46: {  	s13 =	sadd.s32 $0x800, s19;
	s9 =	rddreg [dreg:$0x4];
	[sflag:s23] =	ssyncset.done $0x0  }
0x47: {  	s5 =	sadd.s32 $0x800, s11;
	s10 =	rddreg [dreg:$0x5];
	[sflag:s23] =	ssyncadd.s32 $0xFFFFE000  }
0x48: {  	[hbm:s11], [sflag:s9] =	dma.local [spmem:s10], $0x400  }
0x49: {  	s1 =	sadd.s32 $0x800, s13;
	s0 =	sadd.s32 $0x800, s5;
	s11 =	smul.u32 $0xC8, s28  }
0x4a: {  	s10 =	smov.u32 s19;
	s26 =	rddreg [dreg:$0xb];
	_ =	swait.ge [sflag:s24], $0x2000  }
0x4b: {  	s19 =	simm.s32 $0x100;
	s31 =	sor.u32 $0x1C08, s26;
	[sflag:s24] =	ssyncset.done $0x0  }
.LBB2_2:
0x4c: {  	[sflag:s24] =	ssyncadd.s32 $0xFFFFE000  }
0x4d: {  	[hbm:s10], [sflag:s31] =	dma.local [spmem:s30], $0x400  }
0x4e: {  	_ =	swait.ge @!p1 [sflag:s2], $0x400  }
0x4f: {  	[sflag:s2] =	ssyncset.done @!p1 $0x0  }
0x50: {  	s4 =	ssub.s32 s4, s11;
	[sflag:s2] =	ssyncadd.s32 @!p1 $0xFFFFFC00  }
0x51: {  	[spmem:s6] =	stream.linear.scatter [tilespmem:s25], [sflag:$0x1], $0x2000, $0x38;
	[tilespmem:$0x14880] =	vst v63  }
0x52: {  	s28 =	sshll.u32 s4, $0x6;
	s4 =	simm.s32 @!p1 $0x8  }
0x53: {  	[tilespmem:s15], [sflag:$0x3] =	stream.indirect.gather [hbm4b:s3+s14], $0x40, s19, s14, $0xb8;
	[tilespmem:$0x14880] =	vst v63  }
0x54: {  	_ =	swait.ge @!p1 [sflag:s4], $0x400  }
0x55: {  	s2 =	sand.u32 $0x3FC0, s28;
	[sflag:s4] =	ssyncset.done @!p1 $0x0  }
0x56: {  	s2 =	sadd.s32 $0x6400, s2;
	[sflag:s4] =	ssyncadd.s32 @!p1 $0xFFFFFC00  }
0x57: {  	[spmem:s7] =	stream.linear.scatter [tilespmem:s2], [sflag:$0x2], $0x2000, $0x38;
	[tilespmem:$0x14880] =	vst v63  }
0x58: {  	s11 =	sadd.s32 $0x80, s19  }
0x59: {  	[tilespmem:s16], [sflag:$0x4] =	stream.indirect.gather [hbm4b:s3+s14], $0x40, s11, s14, $0xb8;
	[tilespmem:$0x14880] =	vst v63  }
0x5a: {  	s29 =	sadd.s32 $0x100, s29;
	s9 =	smov.u32 s8;
	_ =	swait.ge [sflag:s17], $0x2000  }
0x5b: {  	s8 =	sadd.s32 $0x100, s8;
	s26 =	smov.u32 s5;
	[sflag:s17] =	ssyncset.done $0x0  }
0x5c: {  	s5 =	smov.u32 s0;
	s0 =	sadd.s32 $0x800, s0;
	[sflag:s17] =	ssyncadd.s32 $0xFFFFE000  }
0x5d: {  	p3 =	seq.s32 s9, $0x0;
	s25 =	sand.u32 $0xFFF8, s12;
	_ =	swait.ge [sflag:s18], $0x2000  }
0x5e: {  	p2 =	sne.s32 s8, $0x6400;
	s2 =	sshrl.u32 s25, $0x3;
	[sflag:s18] =	ssyncset.done $0x0  }
0x5f: {  	s10 =	smov.u32 s13;
	s2 =	smul.u32 $0x147B, s2;
	[sflag:s18] =	ssyncadd.s32 $0xFFFFE000  }
0x60: {  	[spmem:s6] =	stream.indirect.scatter.add.f32 [tilespmem:s15], [sflag:$0x5], $0x40, s20, s14, $0xb8;
	[tilespmem:$0x14880] =	vst v63  }
0x61: {  	s13 =	smov.u32 s1;
	s1 =	sadd.s32 $0x800, s1;
	_ =	swait.ge [sflag:s21], $0x2000  }
0x62: {  	s19 =	smov.u32 s29;
	s2 =	sshrl.u32 s2, $0x11;
	[sflag:s21] =	ssyncset.done $0x0  }
0x63: {  	p1 =	por p0, p0;
	s2 =	smul.u32 $0xC8, s2;
	[sflag:s21] =	ssyncadd.s32 $0xFFFFE000  }
0x64: {  	p0 =	por p3, p3;
	s4 =	sadd.s32 $0x80, s12;
	_ =	swait.ge [sflag:s22], $0x2000  }
0x65: {  	s28 =	sand.u32 $0xFFF8, s4;
	s2 =	ssub.s32 s12, s2;
	[sflag:s22] =	ssyncset.done $0x0  }
0x66: {  	s12 =	smov.u32 s9;
	s9 =	sshrl.u32 s28, $0x3;
	[sflag:s22] =	ssyncadd.s32 $0xFFFFE000  }
0x67: {  	[spmem:s7] =	stream.indirect.scatter.add.f32 [tilespmem:s16], [sflag:$0x6], $0x40, s20, s14, $0xb8;
	[tilespmem:$0x14880] =	vst v63  }
0x68: {  	s2 =	sshll.u32 s2, $0x6;
	s9 =	smul.u32 $0x147B, s9;
	_ =	swait.ge [sflag:s23], $0x2000  }
.Ltmp0:
0x69: {  	[sflag:s23] =	ssyncset.done $0x0;
	s11 =	rddreg [dreg:$0x4];
	(pc) =	sbr.rel @p2 .LBB2_2-.Ltmp0, $4  }
0x6a: {  	s25 =	sand.u32 $0x3FC0, s2;
	s28 =	rddreg [dreg:$0x5];
	[sflag:s23] =	ssyncadd.s32 $0xFFFFE000  }
0x6b: {  	[hbm:s26], [sflag:s11] =	dma.local [spmem:s28], $0x400  }
0x6c: {  	s2 =	simm.s32 @!p1 $0x7;
	s9 =	sshrl.u32 s9, $0x11;
	_ =	swait.ge [sflag:s24], $0x2000  }
0x6d: {  	s25 =	sadd.s32 $0x6400, s25;
	s11 =	smul.u32 $0xC8, s9;
	[sflag:s24] =	ssyncset.done $0x0  }
0x6e: {  	[sflag:s24] =	ssyncadd.s32 $0xFFFFE000  }
0x6f: {  	[hbm:s10], [sflag:s31] =	dma.local [spmem:s30], $0x400  }
0x70: {  	_ =	swait.ge @!p1 [sflag:s2], $0x400  }
0x71: {  	[sflag:s2] =	ssyncset.done @!p1 $0x0  }
0x72: {  	[sflag:s2] =	ssyncadd.s32 @!p1 $0xFFFFFC00  }
0x73: {  	[spmem:s6] =	stream.linear.scatter [tilespmem:s25], [sflag:$0x1], $0x2000, $0x38;
	[tilespmem:$0x14880] =	vst v63  }
0x74: {  	s28 =	ssub.s32 s4, s11;
	s4 =	simm.s32 @!p1 $0x8  }
0x75: {  	[tilespmem:s15], [sflag:$0x3] =	stream.indirect.gather [hbm4b:s3+s14], $0x40, s19, s14, $0xb8;
	[tilespmem:$0x14880] =	vst v63  }
0x76: {  	s2 =	sshll.u32 s28, $0x6;
	_ =	swait.ge @!p1 [sflag:s4], $0x400  }
0x77: {  	s2 =	sand.u32 $0x3FC0, s2;
	[sflag:s4] =	ssyncset.done @!p1 $0x0  }
0x78: {  	s2 =	sadd.s32 $0x6400, s2;
	[sflag:s4] =	ssyncadd.s32 @!p1 $0xFFFFFC00  }
0x79: {  	[spmem:s7] =	stream.linear.scatter [tilespmem:s2], [sflag:$0x2], $0x2000, $0x38;
	[tilespmem:$0x14880] =	vst v63  }
0x7a: {  	s4 =	sadd.s32 $0x80, s19  }
0x7b: {  	[tilespmem:s16], [sflag:$0x4] =	stream.indirect.gather [hbm4b:s3+s14], $0x40, s4, s14, $0xb8;
	[tilespmem:$0x14880] =	vst v63  }
0x7c: {  	_ =	swait.ge [sflag:s17], $0x2000  }
0x7d: {  	[sflag:s17] =	ssyncset.done $0x0  }
0x7e: {  	[sflag:s17] =	ssyncadd.s32 $0xFFFFE000  }
0x7f: {  	_ =	swait.ge [sflag:s18], $0x2000  }
0x80: {  	[sflag:s18] =	ssyncset.done $0x0  }
0x81: {  	[sflag:s18] =	ssyncadd.s32 $0xFFFFE000  }
0x82: {  	[spmem:s6] =	stream.indirect.scatter.add.f32 [tilespmem:s15], [sflag:$0x5], $0x40, s20, s14, $0xb8;
	[tilespmem:$0x14880] =	vst v63  }
0x83: {  	_ =	swait.ge [sflag:s21], $0x2000  }
0x84: {  	[sflag:s21] =	ssyncset.done $0x0  }
0x85: {  	[sflag:s21] =	ssyncadd.s32 $0xFFFFE000  }
0x86: {  	_ =	swait.ge [sflag:s22], $0x2000  }
0x87: {  	[sflag:s22] =	ssyncset.done $0x0  }
0x88: {  	[sflag:s22] =	ssyncadd.s32 $0xFFFFE000  }
0x89: {  	[spmem:s7] =	stream.indirect.scatter.add.f32 [tilespmem:s16], [sflag:$0x6], $0x40, s20, s14, $0xb8;
	[tilespmem:$0x14880] =	vst v63  }
0x8a: {  	s10 =	sand.u32 $0xFFF8, s12;
	_ =	swait.ge [sflag:s23], $0x2000  }
0x8b: {  	s2 =	sshrl.u32 s10, $0x3;
	s8 =	rddreg [dreg:$0x4];
	[sflag:s23] =	ssyncset.done $0x0  }
0x8c: {  	s2 =	smul.u32 $0x147B, s2;
	s9 =	rddreg [dreg:$0x5];
	[sflag:s23] =	ssyncadd.s32 $0xFFFFE000  }
0x8d: {  	[hbm:s5], [sflag:s8] =	dma.local [spmem:s9], $0x400  }
0x8e: {  	_ =	swait.ge [sflag:s24], $0x2000  }
0x8f: {  	s2 =	sshrl.u32 s2, $0x11;
	[sflag:s24] =	ssyncset.done $0x0  }
0x90: {  	s11 =	sadd.s32 $0x80, s12;
	s2 =	smul.u32 $0xC8, s2;
	[sflag:s24] =	ssyncadd.s32 $0xFFFFE000  }
0x91: {  	[hbm:s13], [sflag:s31] =	dma.local [spmem:s30], $0x400  }
0x92: {  	p0 =	por p0, p0;
	s13 =	sand.u32 $0xFFF8, s11  }
0x93: {  	s2 =	ssub.s32 s12, s2;
	s8 =	simm.s32 @!p0 $0x7;
	s5 =	sshrl.u32 s13, $0x3  }
0x94: {  	s2 =	sshll.u32 s2, $0x6;
	_ =	swait.ge @!p0 [sflag:s8], $0x400;
	s5 =	smul.u32 $0x147B, s5  }
0x95: {  	s2 =	sand.u32 $0x3FC0, s2;
	[sflag:s8] =	ssyncset.done @!p0 $0x0  }
0x96: {  	s2 =	sadd.s32 $0x6400, s2;
	[sflag:s8] =	ssyncadd.s32 @!p0 $0xFFFFFC00;
	s5 =	sshrl.u32 s5, $0x11  }
0x97: {  	[spmem:s6] =	stream.linear.scatter [tilespmem:s2], [sflag:$0x1], $0x2000, $0x38;
	[tilespmem:$0x14880] =	vst v63  }
0x98: {  	s19 =	sadd.s32 $0x100, s29;
	s5 =	smul.u32 $0xC8, s5  }
0x99: {  	[tilespmem:s15], [sflag:$0x3] =	stream.indirect.gather [hbm4b:s3+s14], $0x40, s19, s14, $0xb8;
	[tilespmem:$0x14880] =	vst v63  }
0x9a: {  	s4 =	ssub.s32 s11, s5;
	s5 =	simm.s32 @!p0 $0x8  }
0x9b: {  	s4 =	sshll.u32 s4, $0x6;
	_ =	swait.ge @!p0 [sflag:s5], $0x400  }
0x9c: {  	s4 =	sand.u32 $0x3FC0, s4;
	[sflag:s5] =	ssyncset.done @!p0 $0x0  }
0x9d: {  	[sflag:s5] =	ssyncadd.s32 @!p0 $0xFFFFFC00;
	s4 =	sadd.s32 $0x6400, s4  }
0x9e: {  	[spmem:s7] =	stream.linear.scatter [tilespmem:s4], [sflag:$0x2], $0x2000, $0x38;
	[tilespmem:$0x14880] =	vst v63  }
0x9f: {  	s2 =	sadd.s32 $0x80, s19  }
0xa0: {  	[tilespmem:s16], [sflag:$0x4] =	stream.indirect.gather [hbm4b:s3+s14], $0x40, s2, s14, $0xb8;
	[tilespmem:$0x14880] =	vst v63  }
0xa1: {  	_ =	swait.ge [sflag:s17], $0x2000  }
0xa2: {  	[sflag:s17] =	ssyncset.done $0x0  }
0xa3: {  	[sflag:s17] =	ssyncadd.s32 $0xFFFFE000  }
0xa4: {  	_ =	swait.ge [sflag:s18], $0x2000  }
0xa5: {  	[sflag:s18] =	ssyncset.done $0x0  }
0xa6: {  	[sflag:s18] =	ssyncadd.s32 $0xFFFFE000  }
0xa7: {  	[spmem:s6] =	stream.indirect.scatter.add.f32 [tilespmem:s15], [sflag:$0x5], $0x40, s20, s14, $0xb8;
	[tilespmem:$0x14880] =	vst v63  }
0xa8: {  	_ =	swait.ge [sflag:s21], $0x2000  }
0xa9: {  	[sflag:s21] =	ssyncset.done $0x0  }
0xaa: {  	[sflag:s21] =	ssyncadd.s32 $0xFFFFE000  }
0xab: {  	_ =	swait.ge [sflag:s22], $0x2000  }
0xac: {  	[sflag:s22] =	ssyncset.done $0x0  }
0xad: {  	[sflag:s22] =	ssyncadd.s32 $0xFFFFE000  }
0xae: {  	[spmem:s7] =	stream.indirect.scatter.add.f32 [tilespmem:s16], [sflag:$0x6], $0x40, s20, s14, $0xb8;
	[tilespmem:$0x14880] =	vst v63  }
0xaf: {  	_ =	swait.ge [sflag:s23], $0x2000  }
0xb0: {  	s25 =	rddreg [dreg:$0x4];
	[sflag:s23] =	ssyncset.done $0x0  }
0xb1: {  	s26 =	rddreg [dreg:$0x5];
	[sflag:s23] =	ssyncadd.s32 $0xFFFFE000  }
0xb2: {  	[hbm:s0], [sflag:s25] =	dma.local [spmem:s26], $0x400  }
0xb3: {  	_ =	swait.ge [sflag:s24], $0x2000  }
0xb4: {  	[sflag:s24] =	ssyncset.done $0x0  }
0xb5: {  	s28 =	simm.s32 $0x7;
	[sflag:s24] =	ssyncadd.s32 $0xFFFFE000  }
0xb6: {  	[hbm:s1], [sflag:s31] =	dma.local [spmem:s30], $0x400  }
0xb7: {  	_ =	swait.ge [sflag:s28], $0x400  }
0xb8: {  	[sflag:s28] =	ssyncset.done $0x0  }
0xb9: {  	s29 =	simm.s32 $0x8;
	[sflag:s28] =	ssyncadd.s32 $0xFFFFFC00  }
0xba: {  	_ =	swait.ge [sflag:s29], $0x400  }
0xbb: {  	s30 =	rddreg [dreg:$0xc]  }
0xbc: {  	s31 =	rddreg [dreg:$0x8];
	s2 =	sadd.s32 $0x1, s30  }
0xbd: {  	p0 =	sne.s32 s2, s31  }
.Ltmp1:
0xbe: {  	_ = 	snop;
	(pc) =	sbr.rel @p0 .LBB2_1-.Ltmp1, $3  }
0xbf: {  	_ =	sdelay $0x1  }
0xc0: {  	[sflag:s29] =	ssyncset.done $0x0  }
0xc1: {  	[sflag:s29] =	ssyncadd.s32 $0xFFFFFC00  }
0xc2: {  	_ =	sfence.sel $0x180000  }
0xc3: {  	[bflag:$0x0] =	sbarrier.arrive $0xFFFF  }
0xc4: {  	_ =	strace $0x90000047  }
0xc5: {  	s0 =	stileid.u32;
	[bflag:$0x2] =	sbarrier.arrive $0xFFFF  }
0xc6: {  	p0 =	sne.s32 s0, $0x0;
	s0 =	rddreg [dreg:$0x3]  }
0xc7: {  	s0 =	sadd.s32 @!p0 $0x100000, s0  }
0xc8: {  	[sflag:s0] =	ssyncadd.tile.s32 @!p0 $0x1;
	_ =	shalt  }
.Lfunc_end2:
_tile_overlayer_lowered:
.L_overlay_start_2:
0xc9: {  	(tag) =	ssettag $0x2  }
0xca: {  	s0 =	rddreg [dreg:$0x0];
	s2 =	stileid.u32  }
0xcb: {  	s1 =	rddreg [dreg:$0x1];
	p0 =	sne.s32 s2, $0x0  }
0xcc: {  	s3 =	rddreg [dreg:$0x2];
	[bflag:$0x3] =	sbarrier.arrive $0xFFFF;
	s2 =	simm.s32 @!p0 $0x1C09  }
0xcd: {  	[timem:s3], [sflag:s2] =	dma.local @!p0 [hbm:s0], s1  }
0xce: {  	s0 =	simm.s32 @!p0 $0x9  }
0xcf: {  	_ =	swait.ge @!p0 [sflag:s0], s1  }
0xd0: {  	s1 =	ssub.s32 @!p0 $0x0, s1;
	[sflag:s0] =	ssyncset.done @!p0 $0x0  }
0xd1: {  	[sflag:s0] =	ssyncadd.s32 @!p0 s1  }
0xd2: {  	[bflag:$0x3] =	sbarrier.arrive $0xFFFF  }
0xd3: {  	_ =	shalt  }

// kernel: sparse-core-data-format-call.cloned.1.call-start
scs
called_computation_lowered:
.L_overlay_start_0:
0x0: {  	s2 =	sld [smem:$0x3FD9]  }
0x1: {  	s3 =	sld [smem:$0x3FFE];
	_ =	sdelay $0x1  }
0x2: {  	s1 =	srdreg.scid  }
0x3: {  	s0 =	sand.u32 $0x1, s1  }
0x4: {  	s18 =	sshll.u32 s0, $0xA;
	s2 =	sadd.s32 s3, s2  }
0x5: {  	s2 =	sadd.s32 s2, s18  }
0x6: {  	[smem:$0x3FC5] =	sst s2  }
0x7: {  	_ = 	snop  }
0x8: {  	s2 =	sld [smem:$0x3FD0];
	(tm) =	ssettm $0x1  }
0x9: {  	s19 =	sld [smem:$0x3FFB];
	_ =	sdelay $0x3  }
0xa: {  	_ =	strace s19  }
0xb: {  	s3 =	sld [smem:$0x3FFC];
	_ =	sdelay $0x3  }
0xc: {  	_ =	strace s3  }
0xd: {  	s3 =	sld [smem:$0x3FFD];
	_ =	sdelay $0x3  }
0xe: {  	_ =	strace s3  }
0xf: {  	_ =	strace $0x8FFFFFFF  }
0x10: {  	s20 =	sld [smem:$0x3FDB];
	_ =	sdelay $0x1  }
0x11: {  	s4 =	simm.s32 $_scs_section_size  }
0x12: {  	s5 =	simm.s32 $_size__tile_overlayer_lowered;
	s6 =	simm.s32 $_tile_overlayer_lowered  }
0x13: {  	s23 =	simm.s32 $0x1BFF;
	s22 =	sshll.u32 s6, $0x1;
	s3 =	sadd.s32 s4, s20  }
0x14: {  	s7 =	simm.s32 $0x0;
	s21 =	sshll.u32 s5, $0x1;
	s5 =	sadd.s32 s22, s3  }
0x15: {  	[timem:s7], [sflag:s23] =	dma.local [hbm:s5], s21  }
0x16: {  	_ =	swait.ge [sflag:s23], s21  }
0x17: {  	s4 =	ssub.s32 $0x0, s21;
	[sflag:s23] =	ssyncset.done $0x0  }
0x18: {  	[sflag:s23] =	ssyncadd.s32 s4;
	_ =	sdelay $0x1  }
0x19: {  	s24 =	simm.s32 $0x1B8B  }
0x1a: {  	_ =	swait.ge [sflag:s24], $0x1  }
0x1b: {  	[sflag:s24] =	ssyncset.done $0x0  }
0x1c: {  	s26 =	simm.s32 $0x1B8E;
	s25 =	sld [smem:$0x3FFE];
	[sflag:s24] =	ssyncadd.s32 $0xFFFFFFFF  }
0x1d: {  	s27 =	simm.s32 $execute0_lowered;
	[smem:$0x3FD2] =	sst s26  }
0x1e: {  	s5 =	sshll.u32 s27, $0x1;
	_ =	strace $0x80000049;
	[dreg:$0x1] =	wrdreg $0xFFFFFFFF  }
0x1f: {  	s28 =	simm.s32 $_size_execute0_lowered;
	s3 =	sadd.s32 s3, s5;
	[dreg:$0x0] =	wrdreg $0x0  }
0x20: {  	s5 =	sshll.u32 s28, $0x1;
	[dreg:$0x2] =	wrdreg s3  }
0x21: {  	[dreg:$0x3] =	wrdreg s5  }
0x22: {  	[dreg:$0x4] =	wrdreg $0xC0  }
0x23: {  	_ =	task [dreg:s7], $0x5FFFF  }
0x24: {  	[dreg:$0x1] =	wrdreg $0xFFFFFFFF  }
0x25: {  	[dreg:$0x0] =	wrdreg $0x60  }
0x26: {  	[dreg:$0x2] =	wrdreg s25  }
0x27: {  	[dreg:$0x3] =	wrdreg s2  }
0x28: {  	[dreg:$0x4] =	wrdreg $0x9  }
0x29: {  	_ =	task.clear_ibuf [dreg:s7], $0x5FFFF;
	_ =	strace $0x90000049  }
0x2a: {  	s29 =	simm.s32 $0x9;
	_ =	strace $0x8000004B  }
0x2b: {  	_ =	swait.ge [sflag:s29], $0x1  }
0x2c: {  	[sflag:s29] =	ssyncadd.s32 $0xFFFFFFFF  }
0x2d: {  	_ =	strace $0x9000004B  }
0x2e: {  	_ =	sfence  }
0x2f: {  	s30 =	sld [smem:$0x0];
	_ =	sdelay $0x2  }
0x30: {  	s31 =	sshll.u32 s1, $0xD;
	s1 =	sshrl.u32 s1, $0x2  }
0x31: {  	s3 =	sand.u32 $0x4000, s31;
	s1 =	sadd.s32 s1, s30  }
0x32: {  	s0 =	sor.u32 s3, s0;
	s1 =	sshll.u32 s1, $0x11  }
0x33: {  	s0 =	sor.u32 s1, s0  }
0x34: {  	s0 =	sadd.s32 $0x8F2B, s0  }
0x35: {  	[sflag:s0] =	ssyncadd.remote.s32 $0x1  }
0x36: {  	_ =	sfence.sel $0xFFFF  }
0x37: {  	[dreg:$0x0] =	wrdreg $0xFFFFFFFF;
	(pc) =	sbr.abs _section_cstart, $3  }
0x38: {  	[dreg:$0x1] =	wrdreg $0xFFFFFFFF  }
0x39: {  	_ =	task.clear_ibuf [dreg:s7], $0x2FFFF;
	_ =	strace $0x9FFFFFFF  }
0x3a: {  	(tm) =	ssettm $0x7FFFFFFF  }
0x3b: {  	_ =	shalt  }
tec
execute0_lowered:
.L_overlay_start_1:
0x0: {  	(tag) =	ssettag $0x1  }
0x1: {  	s0 =	srdreg.scid  }
0x2: {  	s1 =	sshll.u32 s0, $0x4  }
0x3: {  	s0 =	stileid.u32;
	s1 =	sand.u32 $0x10, s1  }
0x4: {  	s1 =	sor.u32 s0, s1  }
0x5: {  	s6 =	rddreg [dreg:$0x0];
	s4 =	simm.s32 $0x1;
	s2 =	sshll.u32 s1, $0x7  }
0x6: {  	s7 =	simm.s32 $0x2;
	s12 =	simm.s32 $0x0;
	s1 =	ssub.s32 $0x1000, s2  }
0x7: {  	s8 =	simm.s32 $0x8000;
	s13 =	simm.s32 $0x0;
	s3 =	sand.u32 $0xF80, s1  }
0x8: {  	s9 =	simm.s32 $0x0;
	s5 =	sshrl.u32 s1, $0xC;
	p0 =	sne.s32 s3, $0x0  }
.Ltmp0:
0x9: {  	s1 =	rddreg [dreg:$0x2];
	s4 =	simm.s32 @!p0 $0x0;
	(pc) =	sbr.rel .LBB1_1-.Ltmp0, $4  }
0xa: {  	s11 =	simm.s32 $0x0;
	s3 =	rddreg [dreg:$0x1];
	s5 =	sadd.s32 s4, s5  }
0xb: {  	_ =	strace $0x8000004A;
	s4 =	simm.s32 $0x1;
	s5 =	smul.u32 $0xC8, s5  }
0xc: {  	s6 =	sadd.s32 $0xC00, s6;
	s10 =	smov.u32 s2;
	[sflag:s4] =	ssyncpa.u1 $0x0  }
0xd: {  	p0 =	por $0x0, $0x0;
	[sflag:s7] =	ssyncpa.u1 $0x0;
	s7 =	sor.u32 $0x1, s5  }
.LBB1_4:
0xe: {  	s16 =	sshll.u32 s13, $0x3;
	s17 =	sand.u32 $0x78, s13  }
0xf: {  	s30 =	sand.u32 $0x7E00, s13;
	s12 =	sshll.u32 s12, $0xF;
	s16 =	sand.u32 $0xC00, s16  }
0x10: {  	[tilespmem:s15+$0x810 ss:$0x81] =	vst.msk $0xffff, v2;
	s31 =	sand.u32 $0x7, s13;
	s16 =	sor.u32 s17, s16;
	s17 =	sadd.s32 s3, s30  }
0x11: {  	[tilespmem:s15+$0x1020 ss:$0x81] =	vst.msk $0xffff, v0;
	s13 =	sshll.u32 s31, $0x12;
	s12 =	sadd.s32 s12, s17;
	s16 =	sshrl.u32 s16, $0x3  }
0x12: {  	[tilespmem:s15+$0x0 ss:$0x81] =	vst.msk $0xffff, v1;
	s13 =	sor.u32 $0x400, s13;
	s12 =	sadd.s32 s16, s12  }
0x13: {  	[hbm4b:s12+s13] =	stream.strided.scatter [tilespmem:s14], [sflag:$0x2], $0x2000, s8, s13, $0x20;
	[tilespmem:$0x8080] =	vst v63  }
.LBB1_5:
0x14: {  	s14 =	sadd.s32 $0x1, s9  }
0x15: {  	s12 =	sadd.s32 $0x1000, s10;
	s16 =	smov.u32 s10;
	p2 =	sgt.s32 s14, $0xC7  }
0x16: {  	s16 =	smov.u32 @p2 s12  }
0x17: {  	s14 =	simm.s32 @p2 $0x0;
	p2 =	sgt.s32 s16, $0xFFF  }
0x18: {  	s16 =	smov.u32 @p2 s2;
	p2 =	sne.s32 s11, s7  }
.Ltmp1:
0x19: {  	p1 =	slt.u32 s11, $0x2;
	(pc) =	sbr.rel @!p2 .LBB1_6-.Ltmp1, $4  }
0x1a: {  	s15 =	simm.s32 @!p1 $0x2  }
0x1b: {  	s13 =	smov.u32 s10;
	p0 =	por !p0, !p0;
	_ =	swait.ge @!p1 [sflag:s15], $0x2000  }
0x1c: {  	s12 =	smov.u32 s9;
	[sflag:s15] =	ssyncset.done @!p1 $0x0;
	s9 =	smov.u32 s14  }
0x1d: {  	s11 =	sadd.s32 $0x1, s11;
	[sflag:s15] =	ssyncadd.s32 @!p1 $0xFFFFE000;
	s10 =	smov.u32 s16  }
.LBB1_1:
0x1e: {  	p1 =	sge.u32 s11, s5  }
0x1f: {  	s14 =	sand.u32 @!p1 $0x1FFFFFF, s9  }
0x20: {  	s15 =	smulhi.u32 @!p1 $0x147AE15, s14;
	_ =	sdelay $0x1  }
0x21: {  	s15 =	smul.u32 @!p1 $0xC8, s15  }
0x22: {  	s16 =	sxor.u32 @!p1 $0xFFFFFFFF, s11;
	s17 =	smul.u32 @!p1 $0xC80, s10  }
0x23: {  	s31 =	sadd.s32 $0xFFFFFFFF, s11;
	s16 =	sshll.u32 @!p1 s16, $0xD;
	s14 =	ssub.s32 @!p1 s14, s15  }
0x24: {  	s15 =	sand.u32 @!p1 $0x2000, s16;
	s16 =	sadd.s32 @!p1 s6, s17;
	s14 =	sshll.u32 @!p1 s14, $0x4  }
0x25: {  	s17 =	simm.s32 @!p1 $0x6400;
	s14 =	sadd.s32 @!p1 s14, s16;
	s16 =	simm.s32 @!p1 $0x40  }
0x26: {  	[tilespmem:s15], [sflag:$0x1] =	stream.strided.gather @!p1 [hbm4b:s14+s16], $0x2000, s17, s16, $0x38;
	[tilespmem:$0x8080] =	vst v63  }
0x27: {  	p1 =	sge.u32 s31, s5  }
.Ltmp2:
0x28: {  	_ = 	snop;
	(pc) =	sbr.rel @p1 .LBB1_5-.Ltmp2, $1  }
0x29: {  	_ =	sdelay $0x3  }
0x2a: {  	s14 =	simm.s32 $0x1  }
0x2b: {  	_ =	swait.ge [sflag:s4], $0x2000;
	s14 =	simm.s32 @!p0 $0x0  }
0x2c: {  	[sflag:s4] =	ssyncset.done $0x0;
	s15 =	sshll.u32 s14, $0xD  }
0x2d: {  	[sflag:s4] =	ssyncadd.s32 $0xFFFFE000;
	s18 =	sor.u32 $0x20, s15  }
0x2e: {  	s14 =	smul.u32 $0x8100, s14;
	v3 =	vld [tilespmem:s18+$0x10]  }
0x2f: {  	s30 =	sand.u32 $0x1, s11;
	v2 =	vld [tilespmem:s18+$0xFFFFFFF0]  }
0x30: {  	s15 =	smul.u32 $0x8100, s30;
	s14 =	sshrl.u32 s14, $0x2;
	v0 =	vld [tilespmem:s18+$0x0]  }
0x31: {  	v1 =	vld [tilespmem:s18+$0xFFFFFFE0];
	s16 =	sor.u32 $0x4000, s14  }
0x32: {  	s31 =	sshrl.u32 s15, $0x2;
	s15 =	sadd.s32 $0x0, s16  }
0x33: {  	s17 =	simm.s32 $0x4;
	s18 =	sadd.s32 $0x40, s18;
	s14 =	sor.u32 $0x4000, s31;
	[tilespmem:s15+$0x1830 ss:$0x81] =	vst.msk $0xffff, v3  }
.LBB1_3:
0x34: {  	v3 =	vld [tilespmem:s18+$0x10];
	p1 =	sne.s32 s17, $0x1FC;
	[tilespmem:s15+$0x810 ss:$0x81] =	vst.msk $0xffff, v2;
	s19 =	smov.u32 s17;
	s17 =	sadd.s32 $0x4, s17  }
.Ltmp3:
0x35: {  	v2 =	vld [tilespmem:s18+$0xFFFFFFF0];
	[tilespmem:s15+$0x1020 ss:$0x81] =	vst.msk $0xffff, v0;
	(pc) =	sbr.rel @p1 .LBB1_3-.Ltmp3, $4  }
0x36: {  	v0 =	vld [tilespmem:s18+$0x0];
	[tilespmem:s15+$0x0 ss:$0x81] =	vst.msk $0xffff, v1  }
0x37: {  	s15 =	sshra.s32 s19, $0x2;
	v1 =	vld [tilespmem:s18+$0xFFFFFFE0]  }
0x38: {  	s15 =	sadd.s32 s15, s16  }
0x39: {  	s18 =	sadd.s32 $0x40, s18;
	[tilespmem:s15+$0x1830 ss:$0x81] =	vst.msk $0xffff, v3  }
.Ltmp4:
0x3a: {  	_ = 	snop;
	(pc) =	sbr.rel .LBB1_4-.Ltmp4, $1  }
0x3b: {  	_ =	sdelay $0x3  }
.LBB1_6:
0x3c: {  	_ =	sfence.sel $0x180000  }
0x3d: {  	s2 =	simm.s32 $0x1;
	[bflag:$0x0] =	sbarrier.arrive $0xFFFF  }
0x3e: {  	s31 =	simm.s32 $0x2;
	[sflag:s2] =	ssyncpa.u1 $0x1  }
0x3f: {  	[sflag:s31] =	ssyncpa.u1 $0x1  }
0x40: {  	p0 =	sne.s32 s0, $0x0;
	_ =	strace $0x9000004A  }
0x41: {  	s0 =	sadd.s32 @!p0 $0x100000, s1;
	[bflag:$0x2] =	sbarrier.arrive $0xFFFF  }
0x42: {  	[sflag:s0] =	ssyncadd.tile.s32 @!p0 $0x1;
	_ =	shalt  }
.Lfunc_end1:
_tile_overlayer_lowered:
.L_overlay_start_2:
0x43: {  	(tag) =	ssettag $0x2  }
0x44: {  	s0 =	rddreg [dreg:$0x0];
	s2 =	stileid.u32  }
0x45: {  	s1 =	rddreg [dreg:$0x1];
	p0 =	sne.s32 s2, $0x0  }
0x46: {  	s3 =	rddreg [dreg:$0x2];
	[bflag:$0x3] =	sbarrier.arrive $0xFFFF;
	s2 =	simm.s32 @!p0 $0x1C01  }
0x47: {  	[timem:s3], [sflag:s2] =	dma.local @!p0 [hbm:s0], s1  }
0x48: {  	s0 =	simm.s32 @!p0 $0x1  }
0x49: {  	_ =	swait.ge @!p0 [sflag:s0], s1  }
0x4a: {  	s1 =	ssub.s32 @!p0 $0x0, s1;
	[sflag:s0] =	ssyncset.done @!p0 $0x0  }
0x4b: {  	[sflag:s0] =	ssyncadd.s32 @!p0 s1  }
0x4c: {  	[bflag:$0x3] =	sbarrier.arrive $0xFFFF  }
0x4d: {  	_ =	shalt  }

</sc_bundles>
